<compile_context>
chip_gen: v7x
topology: tpu7x:2x2x1
jax: 0.10.2.dev20260603
libtpu: 0.0.44.dev20260713+nightly
codegen_flags: <defaults>
</compile_context>

<pallas_src>
import functools

import jax
import jax.numpy as jnp
from jax import lax
from jax.experimental import pallas as pl
from jax.experimental.pallas import tpu as pltpu
import jax.experimental.pallas.tpu_sc as plsc

_VOCAB = 1000000
_DIM = 64
_SEQ = 200
_BATCH = 16384


_BLK = 16384
_GRID = -(-_VOCAB // _BLK)


def _matvec_body(tt_ref, w_ref, b_ref, out_ref):
    tt = tt_ref[...]
    w = w_ref[...]
    z = jnp.dot(w, tt, preferred_element_type=jnp.float32)
    out_ref[...] = z[0] + b_ref[0]


def _matvec(table_t, w_row, b):
    return pl.pallas_call(
        _matvec_body,
        grid=(_GRID,),
        in_specs=[
            pl.BlockSpec((_DIM, _BLK), lambda i: (0, i)),
            pl.BlockSpec((1, _DIM), lambda i: (0, 0)),
            pl.BlockSpec(memory_space=pltpu.SMEM),
        ],
        out_specs=pl.BlockSpec((_BLK,), lambda i: (i,)),
        out_shape=jax.ShapeDtypeStruct((_VOCAB,), jnp.float32),
    )(table_t, w_row, b)



_NC, _NS, _L = 2, 16, 16
_NW = _NC * _NS
_BPW = _BATCH // _NW
_PW = 128
_NPASS = _BPW // _PW
_NG = _PW // _L


@functools.partial(
    pl.kernel,
    out_type=jax.ShapeDtypeStruct((_BATCH,), jnp.float32),
    mesh=plsc.VectorSubcoreMesh(core_axis_name="c", subcore_axis_name="s"),
    scratch_types=[
        pltpu.VMEM((_SEQ, _PW), jnp.int32),
        pltpu.VMEM((_SEQ, _PW), jnp.float32),
        pltpu.VMEM((_BPW,), jnp.float32),
        pltpu.VMEM((10000,), jnp.float32),
        pltpu.VMEM_SHARED((_VOCAB,), jnp.float32),
        pltpu.SemaphoreType.DMA,
    ],
)
def _sc_pool(t_hbm, x_hbm, out_hbm, idx_v, vals_v, outb_v, stage_v, t_sh,
             sem):
    wid = lax.axis_index("s") * _NC + lax.axis_index("c")
    base = wid * _BPW

    sid = lax.axis_index("s")
    _C = 10000
    _NCH = _VOCAB // _C

    for j in range(-(-_NCH // _NS)):
        cid = sid + _NS * j

        @pl.when(cid < _NCH)
        def _stage(cid=cid):
            pltpu.sync_copy(t_hbm.at[pl.ds(cid * _C, _C)], stage_v)
            pltpu.sync_copy(stage_v, t_sh.at[pl.ds(cid * _C, _C)])

    plsc.subcore_barrier()

    def pass_body(p, carry):
        col = base + p * _PW
        pltpu.sync_copy(x_hbm.at[pl.ds(0, _SEQ), pl.ds(col, _PW)], idx_v)

        def fire(s, carry2):
            pltpu.async_copy(t_sh.at[idx_v.at[s]], vals_v.at[s], sem)
            return carry2

        lax.fori_loop(0, _SEQ, fire, 0)

        def drain(s, carry2):
            pltpu.make_async_copy(t_hbm.at[idx_v.at[0]], vals_v.at[0],
                                  sem).wait()
            return carry2

        lax.fori_loop(0, _SEQ, drain, 0)

        def seq_body(s, accs):
            return tuple(accs[k] + vals_v[s, pl.ds(k * _L, _L)]
                         for k in range(_NG))

        accs = lax.fori_loop(
            0, _SEQ, seq_body,
            tuple(jnp.zeros((_L,), jnp.float32) for _ in range(_NG)))
        for k in range(_NG):
            z = accs[k] * (1.0 / _SEQ)
            outb_v[pl.ds(p * _PW + k * _L, _L)] = 1.0 / (1.0 + jnp.exp(-z))
        return carry

    lax.fori_loop(0, _NPASS, pass_body, 0)
    pltpu.sync_copy(outb_v, out_hbm.at[pl.ds(base, _BPW)])


def kernel(x, table, W, b):
    t = _matvec(table.T, W.reshape(1, _DIM), b)
    return _sc_pool(t, x)

# --- scband reference (transcript-rebuilt; emitter-appended) ---
"""Pipeline reference for scband-baseline-74826920231484 (READ-ONLY COPY).

The authoritative reference and input builder live on the scoring server;
editing this copy changes nothing except your own understanding.
"""

import jax, jax.numpy as jnp
import numpy as np

VOCAB = 1000000
EMBED_DIM = 64
SEQ = 200
BATCH = 16384

def setup_inputs(seed: int = 0) -> dict:
    key = jax.random.key(seed)
    k1, k2, k3 = jax.random.split(key, 3)
    x = jax.random.randint(k1, (SEQ, BATCH), 0, VOCAB, dtype=jnp.int32)
    table = jax.random.normal(k2, (VOCAB, EMBED_DIM), dtype=jnp.float32) * 0.02
    W = jax.random.normal(k3, (EMBED_DIM, 1), dtype=jnp.float32) * 0.1
    b = jnp.zeros((1,), dtype=jnp.float32)
    return {"x": x, "table": table, "W": W, "b": b}

def reference(x, table, W, b):
    # emb(x): [seq, batch, dim]
    e = jnp.take(table, x, axis=0)
    # permute(1, 0, 2): [batch, seq, dim]
    e = jnp.transpose(e, (1, 0, 2))
    # mean over seq dim
    m = jnp.mean(e, axis=1)
    # Linear(embedding_dim, 1) + Sigmoid, then squeeze
    out = jax.nn.sigmoid(m @ W + b)
    return jnp.squeeze(out, axis=-1)

if __name__ == "__main__":
    import jax
    _d = setup_inputs()
    print(jax.jit(kernel)(*tuple(_d.values())))

</pallas_src>

<mosaic_0001>
#map = affine_map<(d0, d1) -> (0)>
#map1 = affine_map<(d0, d1) -> (0, 0)>
module attributes {stable_mosaic.version = 14 : i64} {
  func.func @_sc_pool(%arg0: i32, %arg1: i32, %arg2: memref<1000000xf32, #tpu.memory_space<hbm>>, %arg3: memref<200x16384xi32, #tpu.memory_space<hbm>>, %arg4: memref<16384xf32, #tpu.memory_space<hbm>>, %arg5: memref<200x128xi32, #tpu.memory_space<vmem>>, %arg6: memref<200x128xf32, #tpu.memory_space<vmem>>, %arg7: memref<512xf32, #tpu.memory_space<vmem>>, %arg8: memref<10000xf32, #tpu.memory_space<vmem>>, %arg9: memref<1000000xf32, #tpu.memory_space<vmem_shared>>, %arg10: memref<!tpu.dma_semaphore, #tpu.memory_space<semaphore_mem>>) attributes {dimension_semantics = [#tpu.dimension_semantics<core_parallel>, #tpu.dimension_semantics<subcore_parallel>], iteration_bounds = array<i64: 2, 16>, scalar_prefetch = 0 : i64, scratch_operands = 6 : i64, tpu.core_type = #tpu.core_type<sc_vector_subcore>, window_params = [{transform_indices = #map}, {transform_indices = #map1}, {transform_indices = #map}]} {
    %mul3A = arith.constant 2 : i32
    %mul3A_0 = arith.muli %arg1, %mul3A : i32
    %add3A = arith.addi %mul3A_0, %arg0 : i32
    %mul3A_1 = arith.constant 512 : i32
    %mul3A_2 = arith.muli %add3A, %mul3A_1 : i32
    %add3A_3 = arith.constant 0 : i32
    %add3A_4 = arith.addi %arg1, %add3A_3 : i32
    %lt3A = arith.constant 100 : i32
    %lt3A_5 = arith.cmpi slt, %add3A_4, %lt3A : i32
    %convert_element_type3A = arith.extui %lt3A_5 : i1 to i32
    %cond3A = arith.constant 0 : i32
    %cond3A_6 = arith.cmpi ne, %convert_element_type3A, %cond3A : i32
    scf.if %cond3A_6 {
      %mul3A_54 = arith.constant 10000 : i32
      %mul3A_55 = arith.muli %add3A_4, %mul3A_54 : i32
      "tpu.region"() ({
        %run_scoped3A = tpu.sem_alloc : memref<!tpu.dma_semaphore, #tpu.memory_space<semaphore_mem>>
        %dma_start3A = tpu.memref_slice %arg2[%mul3A_55] : memref<1000000xf32, #tpu.memory_space<hbm>> -> memref<10000xf32, #tpu.memory_space<hbm>>
        %dma_start3A_58 = tpu.memref_slice %arg2[%mul3A_55] : memref<1000000xf32, #tpu.memory_space<hbm>> -> memref<10000xf32, #tpu.memory_space<hbm>>
        tpu.enqueue_dma source(%dma_start3A_58 : memref<10000xf32, #tpu.memory_space<hbm>>) target(%arg8 : memref<10000xf32, #tpu.memory_space<vmem>>) target_semaphore(%run_scoped3A : memref<!tpu.dma_semaphore, #tpu.memory_space<semaphore_mem>>)
        %dma_wait3A = tpu.memref_slice %arg2[%mul3A_55] : memref<1000000xf32, #tpu.memory_space<hbm>> -> memref<10000xf32, #tpu.memory_space<hbm>>
        %dma_wait3A_59 = tpu.memref_slice %arg2[%mul3A_55] : memref<1000000xf32, #tpu.memory_space<hbm>> -> memref<10000xf32, #tpu.memory_space<hbm>>
        tpu.wait_dma2 semaphore(%run_scoped3A : memref<!tpu.dma_semaphore, #tpu.memory_space<semaphore_mem>>) src(%dma_wait3A_59 : memref<10000xf32, #tpu.memory_space<hbm>>) dst(%arg8 : memref<10000xf32, #tpu.memory_space<vmem>>)
        tpu.yield
      }) : () -> ()
      %mul3A_56 = arith.constant 10000 : i32
      %mul3A_57 = arith.muli %add3A_4, %mul3A_56 : i32
      "tpu.region"() ({
        %run_scoped3A = tpu.sem_alloc : memref<!tpu.dma_semaphore, #tpu.memory_space<semaphore_mem>>
        %dma_start3A = tpu.memref_slice %arg9[%mul3A_57] : memref<1000000xf32, #tpu.memory_space<vmem_shared>> -> memref<10000xf32, #tpu.memory_space<vmem_shared>>
        %dma_start3A_58 = tpu.memref_slice %arg9[%mul3A_57] : memref<1000000xf32, #tpu.memory_space<vmem_shared>> -> memref<10000xf32, #tpu.memory_space<vmem_shared>>
        tpu.enqueue_dma source(%arg8 : memref<10000xf32, #tpu.memory_space<vmem>>) target(%dma_start3A_58 : memref<10000xf32, #tpu.memory_space<vmem_shared>>) target_semaphore(%run_scoped3A : memref<!tpu.dma_semaphore, #tpu.memory_space<semaphore_mem>>)
        %dma_wait3A = tpu.memref_slice %arg9[%mul3A_57] : memref<1000000xf32, #tpu.memory_space<vmem_shared>> -> memref<10000xf32, #tpu.memory_space<vmem_shared>>
        %dma_wait3A_59 = tpu.memref_slice %arg9[%mul3A_57] : memref<1000000xf32, #tpu.memory_space<vmem_shared>> -> memref<10000xf32, #tpu.memory_space<vmem_shared>>
        tpu.wait_dma2 semaphore(%run_scoped3A : memref<!tpu.dma_semaphore, #tpu.memory_space<semaphore_mem>>) src(%arg8 : memref<10000xf32, #tpu.memory_space<vmem>>) dst(%dma_wait3A_59 : memref<10000xf32, #tpu.memory_space<vmem_shared>>)
        tpu.yield
      }) : () -> ()
    } else {
    }
    %add3A_7 = arith.constant 16 : i32
    %add3A_8 = arith.addi %arg1, %add3A_7 : i32
    %lt3A_9 = arith.constant 100 : i32
    %lt3A_10 = arith.cmpi slt, %add3A_8, %lt3A_9 : i32
    %convert_element_type3A_11 = arith.extui %lt3A_10 : i1 to i32
    %cond3A_12 = arith.constant 0 : i32
    %cond3A_13 = arith.cmpi ne, %convert_element_type3A_11, %cond3A_12 : i32
    scf.if %cond3A_13 {
      %mul3A_54 = arith.constant 10000 : i32
      %mul3A_55 = arith.muli %add3A_8, %mul3A_54 : i32
      "tpu.region"() ({
        %run_scoped3A = tpu.sem_alloc : memref<!tpu.dma_semaphore, #tpu.memory_space<semaphore_mem>>
        %dma_start3A = tpu.memref_slice %arg2[%mul3A_55] : memref<1000000xf32, #tpu.memory_space<hbm>> -> memref<10000xf32, #tpu.memory_space<hbm>>
        %dma_start3A_58 = tpu.memref_slice %arg2[%mul3A_55] : memref<1000000xf32, #tpu.memory_space<hbm>> -> memref<10000xf32, #tpu.memory_space<hbm>>
        tpu.enqueue_dma source(%dma_start3A_58 : memref<10000xf32, #tpu.memory_space<hbm>>) target(%arg8 : memref<10000xf32, #tpu.memory_space<vmem>>) target_semaphore(%run_scoped3A : memref<!tpu.dma_semaphore, #tpu.memory_space<semaphore_mem>>)
        %dma_wait3A = tpu.memref_slice %arg2[%mul3A_55] : memref<1000000xf32, #tpu.memory_space<hbm>> -> memref<10000xf32, #tpu.memory_space<hbm>>
        %dma_wait3A_59 = tpu.memref_slice %arg2[%mul3A_55] : memref<1000000xf32, #tpu.memory_space<hbm>> -> memref<10000xf32, #tpu.memory_space<hbm>>
        tpu.wait_dma2 semaphore(%run_scoped3A : memref<!tpu.dma_semaphore, #tpu.memory_space<semaphore_mem>>) src(%dma_wait3A_59 : memref<10000xf32, #tpu.memory_space<hbm>>) dst(%arg8 : memref<10000xf32, #tpu.memory_space<vmem>>)
        tpu.yield
      }) : () -> ()
      %mul3A_56 = arith.constant 10000 : i32
      %mul3A_57 = arith.muli %add3A_8, %mul3A_56 : i32
      "tpu.region"() ({
        %run_scoped3A = tpu.sem_alloc : memref<!tpu.dma_semaphore, #tpu.memory_space<semaphore_mem>>
        %dma_start3A = tpu.memref_slice %arg9[%mul3A_57] : memref<1000000xf32, #tpu.memory_space<vmem_shared>> -> memref<10000xf32, #tpu.memory_space<vmem_shared>>
        %dma_start3A_58 = tpu.memref_slice %arg9[%mul3A_57] : memref<1000000xf32, #tpu.memory_space<vmem_shared>> -> memref<10000xf32, #tpu.memory_space<vmem_shared>>
        tpu.enqueue_dma source(%arg8 : memref<10000xf32, #tpu.memory_space<vmem>>) target(%dma_start3A_58 : memref<10000xf32, #tpu.memory_space<vmem_shared>>) target_semaphore(%run_scoped3A : memref<!tpu.dma_semaphore, #tpu.memory_space<semaphore_mem>>)
        %dma_wait3A = tpu.memref_slice %arg9[%mul3A_57] : memref<1000000xf32, #tpu.memory_space<vmem_shared>> -> memref<10000xf32, #tpu.memory_space<vmem_shared>>
        %dma_wait3A_59 = tpu.memref_slice %arg9[%mul3A_57] : memref<1000000xf32, #tpu.memory_space<vmem_shared>> -> memref<10000xf32, #tpu.memory_space<vmem_shared>>
        tpu.wait_dma2 semaphore(%run_scoped3A : memref<!tpu.dma_semaphore, #tpu.memory_space<semaphore_mem>>) src(%arg8 : memref<10000xf32, #tpu.memory_space<vmem>>) dst(%dma_wait3A_59 : memref<10000xf32, #tpu.memory_space<vmem_shared>>)
        tpu.yield
      }) : () -> ()
    } else {
    }
    %add3A_14 = arith.constant 32 : i32
    %add3A_15 = arith.addi %arg1, %add3A_14 : i32
    %lt3A_16 = arith.constant 100 : i32
    %lt3A_17 = arith.cmpi slt, %add3A_15, %lt3A_16 : i32
    %convert_element_type3A_18 = arith.extui %lt3A_17 : i1 to i32
    %cond3A_19 = arith.constant 0 : i32
    %cond3A_20 = arith.cmpi ne, %convert_element_type3A_18, %cond3A_19 : i32
    scf.if %cond3A_20 {
      %mul3A_54 = arith.constant 10000 : i32
      %mul3A_55 = arith.muli %add3A_15, %mul3A_54 : i32
      "tpu.region"() ({
        %run_scoped3A = tpu.sem_alloc : memref<!tpu.dma_semaphore, #tpu.memory_space<semaphore_mem>>
        %dma_start3A = tpu.memref_slice %arg2[%mul3A_55] : memref<1000000xf32, #tpu.memory_space<hbm>> -> memref<10000xf32, #tpu.memory_space<hbm>>
        %dma_start3A_58 = tpu.memref_slice %arg2[%mul3A_55] : memref<1000000xf32, #tpu.memory_space<hbm>> -> memref<10000xf32, #tpu.memory_space<hbm>>
        tpu.enqueue_dma source(%dma_start3A_58 : memref<10000xf32, #tpu.memory_space<hbm>>) target(%arg8 : memref<10000xf32, #tpu.memory_space<vmem>>) target_semaphore(%run_scoped3A : memref<!tpu.dma_semaphore, #tpu.memory_space<semaphore_mem>>)
        %dma_wait3A = tpu.memref_slice %arg2[%mul3A_55] : memref<1000000xf32, #tpu.memory_space<hbm>> -> memref<10000xf32, #tpu.memory_space<hbm>>
        %dma_wait3A_59 = tpu.memref_slice %arg2[%mul3A_55] : memref<1000000xf32, #tpu.memory_space<hbm>> -> memref<10000xf32, #tpu.memory_space<hbm>>
        tpu.wait_dma2 semaphore(%run_scoped3A : memref<!tpu.dma_semaphore, #tpu.memory_space<semaphore_mem>>) src(%dma_wait3A_59 : memref<10000xf32, #tpu.memory_space<hbm>>) dst(%arg8 : memref<10000xf32, #tpu.memory_space<vmem>>)
        tpu.yield
      }) : () -> ()
      %mul3A_56 = arith.constant 10000 : i32
      %mul3A_57 = arith.muli %add3A_15, %mul3A_56 : i32
      "tpu.region"() ({
        %run_scoped3A = tpu.sem_alloc : memref<!tpu.dma_semaphore, #tpu.memory_space<semaphore_mem>>
        %dma_start3A = tpu.memref_slice %arg9[%mul3A_57] : memref<1000000xf32, #tpu.memory_space<vmem_shared>> -> memref<10000xf32, #tpu.memory_space<vmem_shared>>
        %dma_start3A_58 = tpu.memref_slice %arg9[%mul3A_57] : memref<1000000xf32, #tpu.memory_space<vmem_shared>> -> memref<10000xf32, #tpu.memory_space<vmem_shared>>
        tpu.enqueue_dma source(%arg8 : memref<10000xf32, #tpu.memory_space<vmem>>) target(%dma_start3A_58 : memref<10000xf32, #tpu.memory_space<vmem_shared>>) target_semaphore(%run_scoped3A : memref<!tpu.dma_semaphore, #tpu.memory_space<semaphore_mem>>)
        %dma_wait3A = tpu.memref_slice %arg9[%mul3A_57] : memref<1000000xf32, #tpu.memory_space<vmem_shared>> -> memref<10000xf32, #tpu.memory_space<vmem_shared>>
        %dma_wait3A_59 = tpu.memref_slice %arg9[%mul3A_57] : memref<1000000xf32, #tpu.memory_space<vmem_shared>> -> memref<10000xf32, #tpu.memory_space<vmem_shared>>
        tpu.wait_dma2 semaphore(%run_scoped3A : memref<!tpu.dma_semaphore, #tpu.memory_space<semaphore_mem>>) src(%arg8 : memref<10000xf32, #tpu.memory_space<vmem>>) dst(%dma_wait3A_59 : memref<10000xf32, #tpu.memory_space<vmem_shared>>)
        tpu.yield
      }) : () -> ()
    } else {
    }
    %add3A_21 = arith.constant 48 : i32
    %add3A_22 = arith.addi %arg1, %add3A_21 : i32
    %lt3A_23 = arith.constant 100 : i32
    %lt3A_24 = arith.cmpi slt, %add3A_22, %lt3A_23 : i32
    %convert_element_type3A_25 = arith.extui %lt3A_24 : i1 to i32
    %cond3A_26 = arith.constant 0 : i32
    %cond3A_27 = arith.cmpi ne, %convert_element_type3A_25, %cond3A_26 : i32
    scf.if %cond3A_27 {
      %mul3A_54 = arith.constant 10000 : i32
      %mul3A_55 = arith.muli %add3A_22, %mul3A_54 : i32
      "tpu.region"() ({
        %run_scoped3A = tpu.sem_alloc : memref<!tpu.dma_semaphore, #tpu.memory_space<semaphore_mem>>
        %dma_start3A = tpu.memref_slice %arg2[%mul3A_55] : memref<1000000xf32, #tpu.memory_space<hbm>> -> memref<10000xf32, #tpu.memory_space<hbm>>
        %dma_start3A_58 = tpu.memref_slice %arg2[%mul3A_55] : memref<1000000xf32, #tpu.memory_space<hbm>> -> memref<10000xf32, #tpu.memory_space<hbm>>
        tpu.enqueue_dma source(%dma_start3A_58 : memref<10000xf32, #tpu.memory_space<hbm>>) target(%arg8 : memref<10000xf32, #tpu.memory_space<vmem>>) target_semaphore(%run_scoped3A : memref<!tpu.dma_semaphore, #tpu.memory_space<semaphore_mem>>)
        %dma_wait3A = tpu.memref_slice %arg2[%mul3A_55] : memref<1000000xf32, #tpu.memory_space<hbm>> -> memref<10000xf32, #tpu.memory_space<hbm>>
        %dma_wait3A_59 = tpu.memref_slice %arg2[%mul3A_55] : memref<1000000xf32, #tpu.memory_space<hbm>> -> memref<10000xf32, #tpu.memory_space<hbm>>
        tpu.wait_dma2 semaphore(%run_scoped3A : memref<!tpu.dma_semaphore, #tpu.memory_space<semaphore_mem>>) src(%dma_wait3A_59 : memref<10000xf32, #tpu.memory_space<hbm>>) dst(%arg8 : memref<10000xf32, #tpu.memory_space<vmem>>)
        tpu.yield
      }) : () -> ()
      %mul3A_56 = arith.constant 10000 : i32
      %mul3A_57 = arith.muli %add3A_22, %mul3A_56 : i32
      "tpu.region"() ({
        %run_scoped3A = tpu.sem_alloc : memref<!tpu.dma_semaphore, #tpu.memory_space<semaphore_mem>>
        %dma_start3A = tpu.memref_slice %arg9[%mul3A_57] : memref<1000000xf32, #tpu.memory_space<vmem_shared>> -> memref<10000xf32, #tpu.memory_space<vmem_shared>>
        %dma_start3A_58 = tpu.memref_slice %arg9[%mul3A_57] : memref<1000000xf32, #tpu.memory_space<vmem_shared>> -> memref<10000xf32, #tpu.memory_space<vmem_shared>>
        tpu.enqueue_dma source(%arg8 : memref<10000xf32, #tpu.memory_space<vmem>>) target(%dma_start3A_58 : memref<10000xf32, #tpu.memory_space<vmem_shared>>) target_semaphore(%run_scoped3A : memref<!tpu.dma_semaphore, #tpu.memory_space<semaphore_mem>>)
        %dma_wait3A = tpu.memref_slice %arg9[%mul3A_57] : memref<1000000xf32, #tpu.memory_space<vmem_shared>> -> memref<10000xf32, #tpu.memory_space<vmem_shared>>
        %dma_wait3A_59 = tpu.memref_slice %arg9[%mul3A_57] : memref<1000000xf32, #tpu.memory_space<vmem_shared>> -> memref<10000xf32, #tpu.memory_space<vmem_shared>>
        tpu.wait_dma2 semaphore(%run_scoped3A : memref<!tpu.dma_semaphore, #tpu.memory_space<semaphore_mem>>) src(%arg8 : memref<10000xf32, #tpu.memory_space<vmem>>) dst(%dma_wait3A_59 : memref<10000xf32, #tpu.memory_space<vmem_shared>>)
        tpu.yield
      }) : () -> ()
    } else {
    }
    %add3A_28 = arith.constant 64 : i32
    %add3A_29 = arith.addi %arg1, %add3A_28 : i32
    %lt3A_30 = arith.constant 100 : i32
    %lt3A_31 = arith.cmpi slt, %add3A_29, %lt3A_30 : i32
    %convert_element_type3A_32 = arith.extui %lt3A_31 : i1 to i32
    %cond3A_33 = arith.constant 0 : i32
    %cond3A_34 = arith.cmpi ne, %convert_element_type3A_32, %cond3A_33 : i32
    scf.if %cond3A_34 {
      %mul3A_54 = arith.constant 10000 : i32
      %mul3A_55 = arith.muli %add3A_29, %mul3A_54 : i32
      "tpu.region"() ({
        %run_scoped3A = tpu.sem_alloc : memref<!tpu.dma_semaphore, #tpu.memory_space<semaphore_mem>>
        %dma_start3A = tpu.memref_slice %arg2[%mul3A_55] : memref<1000000xf32, #tpu.memory_space<hbm>> -> memref<10000xf32, #tpu.memory_space<hbm>>
        %dma_start3A_58 = tpu.memref_slice %arg2[%mul3A_55] : memref<1000000xf32, #tpu.memory_space<hbm>> -> memref<10000xf32, #tpu.memory_space<hbm>>
        tpu.enqueue_dma source(%dma_start3A_58 : memref<10000xf32, #tpu.memory_space<hbm>>) target(%arg8 : memref<10000xf32, #tpu.memory_space<vmem>>) target_semaphore(%run_scoped3A : memref<!tpu.dma_semaphore, #tpu.memory_space<semaphore_mem>>)
        %dma_wait3A = tpu.memref_slice %arg2[%mul3A_55] : memref<1000000xf32, #tpu.memory_space<hbm>> -> memref<10000xf32, #tpu.memory_space<hbm>>
        %dma_wait3A_59 = tpu.memref_slice %arg2[%mul3A_55] : memref<1000000xf32, #tpu.memory_space<hbm>> -> memref<10000xf32, #tpu.memory_space<hbm>>
        tpu.wait_dma2 semaphore(%run_scoped3A : memref<!tpu.dma_semaphore, #tpu.memory_space<semaphore_mem>>) src(%dma_wait3A_59 : memref<10000xf32, #tpu.memory_space<hbm>>) dst(%arg8 : memref<10000xf32, #tpu.memory_space<vmem>>)
        tpu.yield
      }) : () -> ()
      %mul3A_56 = arith.constant 10000 : i32
      %mul3A_57 = arith.muli %add3A_29, %mul3A_56 : i32
      "tpu.region"() ({
        %run_scoped3A = tpu.sem_alloc : memref<!tpu.dma_semaphore, #tpu.memory_space<semaphore_mem>>
        %dma_start3A = tpu.memref_slice %arg9[%mul3A_57] : memref<1000000xf32, #tpu.memory_space<vmem_shared>> -> memref<10000xf32, #tpu.memory_space<vmem_shared>>
        %dma_start3A_58 = tpu.memref_slice %arg9[%mul3A_57] : memref<1000000xf32, #tpu.memory_space<vmem_shared>> -> memref<10000xf32, #tpu.memory_space<vmem_shared>>
        tpu.enqueue_dma source(%arg8 : memref<10000xf32, #tpu.memory_space<vmem>>) target(%dma_start3A_58 : memref<10000xf32, #tpu.memory_space<vmem_shared>>) target_semaphore(%run_scoped3A : memref<!tpu.dma_semaphore, #tpu.memory_space<semaphore_mem>>)
        %dma_wait3A = tpu.memref_slice %arg9[%mul3A_57] : memref<1000000xf32, #tpu.memory_space<vmem_shared>> -> memref<10000xf32, #tpu.memory_space<vmem_shared>>
        %dma_wait3A_59 = tpu.memref_slice %arg9[%mul3A_57] : memref<1000000xf32, #tpu.memory_space<vmem_shared>> -> memref<10000xf32, #tpu.memory_space<vmem_shared>>
        tpu.wait_dma2 semaphore(%run_scoped3A : memref<!tpu.dma_semaphore, #tpu.memory_space<semaphore_mem>>) src(%arg8 : memref<10000xf32, #tpu.memory_space<vmem>>) dst(%dma_wait3A_59 : memref<10000xf32, #tpu.memory_space<vmem_shared>>)
        tpu.yield
      }) : () -> ()
    } else {
    }
    %add3A_35 = arith.constant 80 : i32
    %add3A_36 = arith.addi %arg1, %add3A_35 : i32
    %lt3A_37 = arith.constant 100 : i32
    %lt3A_38 = arith.cmpi slt, %add3A_36, %lt3A_37 : i32
    %convert_element_type3A_39 = arith.extui %lt3A_38 : i1 to i32
    %cond3A_40 = arith.constant 0 : i32
    %cond3A_41 = arith.cmpi ne, %convert_element_type3A_39, %cond3A_40 : i32
    scf.if %cond3A_41 {
      %mul3A_54 = arith.constant 10000 : i32
      %mul3A_55 = arith.muli %add3A_36, %mul3A_54 : i32
      "tpu.region"() ({
        %run_scoped3A = tpu.sem_alloc : memref<!tpu.dma_semaphore, #tpu.memory_space<semaphore_mem>>
        %dma_start3A = tpu.memref_slice %arg2[%mul3A_55] : memref<1000000xf32, #tpu.memory_space<hbm>> -> memref<10000xf32, #tpu.memory_space<hbm>>
        %dma_start3A_58 = tpu.memref_slice %arg2[%mul3A_55] : memref<1000000xf32, #tpu.memory_space<hbm>> -> memref<10000xf32, #tpu.memory_space<hbm>>
        tpu.enqueue_dma source(%dma_start3A_58 : memref<10000xf32, #tpu.memory_space<hbm>>) target(%arg8 : memref<10000xf32, #tpu.memory_space<vmem>>) target_semaphore(%run_scoped3A : memref<!tpu.dma_semaphore, #tpu.memory_space<semaphore_mem>>)
        %dma_wait3A = tpu.memref_slice %arg2[%mul3A_55] : memref<1000000xf32, #tpu.memory_space<hbm>> -> memref<10000xf32, #tpu.memory_space<hbm>>
        %dma_wait3A_59 = tpu.memref_slice %arg2[%mul3A_55] : memref<1000000xf32, #tpu.memory_space<hbm>> -> memref<10000xf32, #tpu.memory_space<hbm>>
        tpu.wait_dma2 semaphore(%run_scoped3A : memref<!tpu.dma_semaphore, #tpu.memory_space<semaphore_mem>>) src(%dma_wait3A_59 : memref<10000xf32, #tpu.memory_space<hbm>>) dst(%arg8 : memref<10000xf32, #tpu.memory_space<vmem>>)
        tpu.yield
      }) : () -> ()
      %mul3A_56 = arith.constant 10000 : i32
      %mul3A_57 = arith.muli %add3A_36, %mul3A_56 : i32
      "tpu.region"() ({
        %run_scoped3A = tpu.sem_alloc : memref<!tpu.dma_semaphore, #tpu.memory_space<semaphore_mem>>
        %dma_start3A = tpu.memref_slice %arg9[%mul3A_57] : memref<1000000xf32, #tpu.memory_space<vmem_shared>> -> memref<10000xf32, #tpu.memory_space<vmem_shared>>
        %dma_start3A_58 = tpu.memref_slice %arg9[%mul3A_57] : memref<1000000xf32, #tpu.memory_space<vmem_shared>> -> memref<10000xf32, #tpu.memory_space<vmem_shared>>
        tpu.enqueue_dma source(%arg8 : memref<10000xf32, #tpu.memory_space<vmem>>) target(%dma_start3A_58 : memref<10000xf32, #tpu.memory_space<vmem_shared>>) target_semaphore(%run_scoped3A : memref<!tpu.dma_semaphore, #tpu.memory_space<semaphore_mem>>)
        %dma_wait3A = tpu.memref_slice %arg9[%mul3A_57] : memref<1000000xf32, #tpu.memory_space<vmem_shared>> -> memref<10000xf32, #tpu.memory_space<vmem_shared>>
        %dma_wait3A_59 = tpu.memref_slice %arg9[%mul3A_57] : memref<1000000xf32, #tpu.memory_space<vmem_shared>> -> memref<10000xf32, #tpu.memory_space<vmem_shared>>
        tpu.wait_dma2 semaphore(%run_scoped3A : memref<!tpu.dma_semaphore, #tpu.memory_space<semaphore_mem>>) src(%arg8 : memref<10000xf32, #tpu.memory_space<vmem>>) dst(%dma_wait3A_59 : memref<10000xf32, #tpu.memory_space<vmem_shared>>)
        tpu.yield
      }) : () -> ()
    } else {
    }
    %add3A_42 = arith.constant 96 : i32
    %add3A_43 = arith.addi %arg1, %add3A_42 : i32
    %lt3A_44 = arith.constant 100 : i32
    %lt3A_45 = arith.cmpi slt, %add3A_43, %lt3A_44 : i32
    %convert_element_type3A_46 = arith.extui %lt3A_45 : i1 to i32
    %cond3A_47 = arith.constant 0 : i32
    %cond3A_48 = arith.cmpi ne, %convert_element_type3A_46, %cond3A_47 : i32
    scf.if %cond3A_48 {
      %mul3A_54 = arith.constant 10000 : i32
      %mul3A_55 = arith.muli %add3A_43, %mul3A_54 : i32
      "tpu.region"() ({
        %run_scoped3A = tpu.sem_alloc : memref<!tpu.dma_semaphore, #tpu.memory_space<semaphore_mem>>
        %dma_start3A = tpu.memref_slice %arg2[%mul3A_55] : memref<1000000xf32, #tpu.memory_space<hbm>> -> memref<10000xf32, #tpu.memory_space<hbm>>
        %dma_start3A_58 = tpu.memref_slice %arg2[%mul3A_55] : memref<1000000xf32, #tpu.memory_space<hbm>> -> memref<10000xf32, #tpu.memory_space<hbm>>
        tpu.enqueue_dma source(%dma_start3A_58 : memref<10000xf32, #tpu.memory_space<hbm>>) target(%arg8 : memref<10000xf32, #tpu.memory_space<vmem>>) target_semaphore(%run_scoped3A : memref<!tpu.dma_semaphore, #tpu.memory_space<semaphore_mem>>)
        %dma_wait3A = tpu.memref_slice %arg2[%mul3A_55] : memref<1000000xf32, #tpu.memory_space<hbm>> -> memref<10000xf32, #tpu.memory_space<hbm>>
        %dma_wait3A_59 = tpu.memref_slice %arg2[%mul3A_55] : memref<1000000xf32, #tpu.memory_space<hbm>> -> memref<10000xf32, #tpu.memory_space<hbm>>
        tpu.wait_dma2 semaphore(%run_scoped3A : memref<!tpu.dma_semaphore, #tpu.memory_space<semaphore_mem>>) src(%dma_wait3A_59 : memref<10000xf32, #tpu.memory_space<hbm>>) dst(%arg8 : memref<10000xf32, #tpu.memory_space<vmem>>)
        tpu.yield
      }) : () -> ()
      %mul3A_56 = arith.constant 10000 : i32
      %mul3A_57 = arith.muli %add3A_43, %mul3A_56 : i32
      "tpu.region"() ({
        %run_scoped3A = tpu.sem_alloc : memref<!tpu.dma_semaphore, #tpu.memory_space<semaphore_mem>>
        %dma_start3A = tpu.memref_slice %arg9[%mul3A_57] : memref<1000000xf32, #tpu.memory_space<vmem_shared>> -> memref<10000xf32, #tpu.memory_space<vmem_shared>>
        %dma_start3A_58 = tpu.memref_slice %arg9[%mul3A_57] : memref<1000000xf32, #tpu.memory_space<vmem_shared>> -> memref<10000xf32, #tpu.memory_space<vmem_shared>>
        tpu.enqueue_dma source(%arg8 : memref<10000xf32, #tpu.memory_space<vmem>>) target(%dma_start3A_58 : memref<10000xf32, #tpu.memory_space<vmem_shared>>) target_semaphore(%run_scoped3A : memref<!tpu.dma_semaphore, #tpu.memory_space<semaphore_mem>>)
        %dma_wait3A = tpu.memref_slice %arg9[%mul3A_57] : memref<1000000xf32, #tpu.memory_space<vmem_shared>> -> memref<10000xf32, #tpu.memory_space<vmem_shared>>
        %dma_wait3A_59 = tpu.memref_slice %arg9[%mul3A_57] : memref<1000000xf32, #tpu.memory_space<vmem_shared>> -> memref<10000xf32, #tpu.memory_space<vmem_shared>>
        tpu.wait_dma2 semaphore(%run_scoped3A : memref<!tpu.dma_semaphore, #tpu.memory_space<semaphore_mem>>) src(%arg8 : memref<10000xf32, #tpu.memory_space<vmem>>) dst(%dma_wait3A_59 : memref<10000xf32, #tpu.memory_space<vmem_shared>>)
        tpu.yield
      }) : () -> ()
    } else {
    }
    %barrier3A = arith.constant 0 : index
    tpu.barrier barrier_id(%barrier3A)
    %scan3A = arith.constant 0 : i32
    %scan3A_49 = arith.constant 0 : i32
    %scan3A_50 = arith.constant 4 : i32
    %scan3A_51 = arith.addi %scan3A_49, %scan3A_50 : i32
    %scan3A_52 = arith.constant 1 : i32
    scf.for %scan3A_54 = %scan3A_49 to %scan3A_51 step %scan3A_52  : i32 {
      %mul3A_55 = arith.constant 128 : i32
      %mul3A_56 = arith.muli %scan3A_54, %mul3A_55 : i32
      %add3A_57 = arith.addi %mul3A_2, %mul3A_56 : i32
      "tpu.region"() ({
        %run_scoped3A = tpu.sem_alloc : memref<!tpu.dma_semaphore, #tpu.memory_space<semaphore_mem>>
        %dma_start3A = arith.constant 0 : i32
        %dma_start3A_255 = tpu.memref_slice %arg3[%dma_start3A, %add3A_57] : memref<200x16384xi32, #tpu.memory_space<hbm>> -> memref<200x128xi32, #tpu.memory_space<hbm>>
        %dma_start3A_256 = arith.constant 0 : i32
        %dma_start3A_257 = tpu.memref_slice %arg3[%dma_start3A_256, %add3A_57] : memref<200x16384xi32, #tpu.memory_space<hbm>> -> memref<200x128xi32, #tpu.memory_space<hbm>>
        tpu.enqueue_dma source(%dma_start3A_257 : memref<200x128xi32, #tpu.memory_space<hbm>>) target(%arg5 : memref<200x128xi32, #tpu.memory_space<vmem>>) target_semaphore(%run_scoped3A : memref<!tpu.dma_semaphore, #tpu.memory_space<semaphore_mem>>)
        %dma_wait3A = arith.constant 0 : i32
        %dma_wait3A_258 = tpu.memref_slice %arg3[%dma_wait3A, %add3A_57] : memref<200x16384xi32, #tpu.memory_space<hbm>> -> memref<200x128xi32, #tpu.memory_space<hbm>>
        %dma_wait3A_259 = arith.constant 0 : i32
        %dma_wait3A_260 = tpu.memref_slice %arg3[%dma_wait3A_259, %add3A_57] : memref<200x16384xi32, #tpu.memory_space<hbm>> -> memref<200x128xi32, #tpu.memory_space<hbm>>
        tpu.wait_dma2 semaphore(%run_scoped3A : memref<!tpu.dma_semaphore, #tpu.memory_space<semaphore_mem>>) src(%dma_wait3A_260 : memref<200x128xi32, #tpu.memory_space<hbm>>) dst(%arg5 : memref<200x128xi32, #tpu.memory_space<vmem>>)
        tpu.yield
      }) : () -> ()
      %scan3A_58 = arith.constant 0 : i32
      %scan3A_59 = arith.constant 0 : i32
      %scan3A_60 = arith.constant 200 : i32
      %scan3A_61 = arith.addi %scan3A_59, %scan3A_60 : i32
      %scan3A_62 = arith.constant 1 : i32
      scf.for %scan3A_255 = %scan3A_59 to %scan3A_61 step %scan3A_62  : i32 {
        %dma_start3A = arith.constant 0 : i32
        %dma_start3A_256 = tpu.memref_slice %arg6[%scan3A_255, %dma_start3A] : memref<200x128xf32, #tpu.memory_space<vmem>> -> memref<1x128xf32, #tpu.memory_space<vmem>>
        %dma_start3A_257 = tpu.memref_squeeze %dma_start3A_256 : memref<1x128xf32, #tpu.memory_space<vmem>> -> memref<128xf32, #tpu.memory_space<vmem>>
        %dma_start3A_258 = arith.constant 0 : i32
        %dma_start3A_259 = tpu.memref_slice %arg5[%scan3A_255, %dma_start3A_258] : memref<200x128xi32, #tpu.memory_space<vmem>> -> memref<1x128xi32, #tpu.memory_space<vmem>>
        %dma_start3A_260 = tpu.memref_squeeze %dma_start3A_259 : memref<1x128xi32, #tpu.memory_space<vmem>> -> memref<128xi32, #tpu.memory_space<vmem>>
        %dma_start3A_261 = arith.constant 0 : i32
        %dma_start3A_262 = tpu.memref_slice %arg9[%dma_start3A_261] : memref<1000000xf32, #tpu.memory_space<vmem_shared>> -> memref<1000000xf32, #tpu.memory_space<vmem_shared>>
        tpu.enqueue_indirect_dma source(%dma_start3A_262 : memref<1000000xf32, #tpu.memory_space<vmem_shared>>) target(%dma_start3A_257 : memref<128xf32, #tpu.memory_space<vmem>>) offsets(%dma_start3A_260 : memref<128xi32, #tpu.memory_space<vmem>>) semaphore(%arg10 : memref<!tpu.dma_semaphore, #tpu.memory_space<semaphore_mem>>)
      }
      %scan3A_63 = arith.constant 200 : i32
      %scan3A_64 = arith.constant 0 : i32
      %scan3A_65 = arith.constant 0 : i32
      %scan3A_66 = arith.constant 200 : i32
      %scan3A_67 = arith.addi %scan3A_65, %scan3A_66 : i32
      %scan3A_68 = arith.constant 1 : i32
      scf.for %scan3A_255 = %scan3A_65 to %scan3A_67 step %scan3A_68  : i32 {
        %dma_wait3A = arith.constant 0 : i32
        %dma_wait3A_256 = arith.constant 0 : i32
        %dma_wait3A_257 = arith.constant 0 : i32
        %dma_wait3A_258 = tpu.memref_slice %arg6[%dma_wait3A_256, %dma_wait3A_257] : memref<200x128xf32, #tpu.memory_space<vmem>> -> memref<1x128xf32, #tpu.memory_space<vmem>>
        %dma_wait3A_259 = tpu.memref_squeeze %dma_wait3A_258 : memref<1x128xf32, #tpu.memory_space<vmem>> -> memref<128xf32, #tpu.memory_space<vmem>>
        %dma_wait3A_260 = arith.constant 0 : i32
        %dma_wait3A_261 = tpu.memref_slice %arg5[%dma_wait3A, %dma_wait3A_260] : memref<200x128xi32, #tpu.memory_space<vmem>> -> memref<1x128xi32, #tpu.memory_space<vmem>>
        %dma_wait3A_262 = tpu.memref_squeeze %dma_wait3A_261 : memref<1x128xi32, #tpu.memory_space<vmem>> -> memref<128xi32, #tpu.memory_space<vmem>>
        %dma_wait3A_263 = arith.constant 0 : i32
        %dma_wait3A_264 = tpu.memref_slice %arg2[%dma_wait3A_263] : memref<1000000xf32, #tpu.memory_space<hbm>> -> memref<1000000xf32, #tpu.memory_space<hbm>>
        tpu.wait_indirect_dma semaphore(%arg10 : memref<!tpu.dma_semaphore, #tpu.memory_space<semaphore_mem>>) src(%dma_wait3A_264 : memref<1000000xf32, #tpu.memory_space<hbm>>) dst(%dma_wait3A_259 : memref<128xf32, #tpu.memory_space<vmem>>)
      }
      %scan3A_69 = arith.constant 200 : i32
      %broadcast_in_dim3A = arith.constant 0.000000e+00 : f32
      %broadcast_in_dim3A_70 = vector.broadcast %broadcast_in_dim3A : f32 to vector<16xf32>
      %broadcast_in_dim3A_71 = arith.constant 0.000000e+00 : f32
      %broadcast_in_dim3A_72 = vector.broadcast %broadcast_in_dim3A_71 : f32 to vector<16xf32>
      %broadcast_in_dim3A_73 = arith.constant 0.000000e+00 : f32
      %broadcast_in_dim3A_74 = vector.broadcast %broadcast_in_dim3A_73 : f32 to vector<16xf32>
      %broadcast_in_dim3A_75 = arith.constant 0.000000e+00 : f32
      %broadcast_in_dim3A_76 = vector.broadcast %broadcast_in_dim3A_75 : f32 to vector<16xf32>
      %broadcast_in_dim3A_77 = arith.constant 0.000000e+00 : f32
      %broadcast_in_dim3A_78 = vector.broadcast %broadcast_in_dim3A_77 : f32 to vector<16xf32>
      %broadcast_in_dim3A_79 = arith.constant 0.000000e+00 : f32
      %broadcast_in_dim3A_80 = vector.broadcast %broadcast_in_dim3A_79 : f32 to vector<16xf32>
      %broadcast_in_dim3A_81 = arith.constant 0.000000e+00 : f32
      %broadcast_in_dim3A_82 = vector.broadcast %broadcast_in_dim3A_81 : f32 to vector<16xf32>
      %broadcast_in_dim3A_83 = arith.constant 0.000000e+00 : f32
      %broadcast_in_dim3A_84 = vector.broadcast %broadcast_in_dim3A_83 : f32 to vector<16xf32>
      %scan3A_85 = arith.constant 0 : i32
      %scan3A_86 = arith.constant 200 : i32
      %scan3A_87 = arith.addi %scan3A_85, %scan3A_86 : i32
      %scan3A_88 = arith.constant 1 : i32
      %scan3A_89:8 = scf.for %scan3A_255 = %scan3A_85 to %scan3A_87 step %scan3A_88 iter_args(%scan3A_256 = %broadcast_in_dim3A_70, %scan3A_257 = %broadcast_in_dim3A_72, %scan3A_258 = %broadcast_in_dim3A_74, %scan3A_259 = %broadcast_in_dim3A_76, %scan3A_260 = %broadcast_in_dim3A_78, %scan3A_261 = %broadcast_in_dim3A_80, %scan3A_262 = %broadcast_in_dim3A_82, %scan3A_263 = %broadcast_in_dim3A_84) -> (vector<16xf32>, vector<16xf32>, vector<16xf32>, vector<16xf32>, vector<16xf32>, vector<16xf32>, vector<16xf32>, vector<16xf32>)  : i32 {
        %get3A = arith.index_cast %scan3A_255 : i32 to index
        %get3A_264 = arith.constant 0 : index
        %get3A_265 = tpu.vector_load %arg6[%get3A, %get3A_264] {strides = array<i32>} : memref<200x128xf32, #tpu.memory_space<vmem>>, vector<1x16xf32>,
        %get3A_266 = vector.shape_cast %get3A_265 : vector<1x16xf32> to vector<16xf32>
        %add3A_267 = arith.addf %scan3A_256, %get3A_266 : vector<16xf32>
        %get3A_268 = arith.index_cast %scan3A_255 : i32 to index
        %get3A_269 = arith.constant 16 : index
        %get3A_270 = tpu.vector_load %arg6[%get3A_268, %get3A_269] {strides = array<i32>} : memref<200x128xf32, #tpu.memory_space<vmem>>, vector<1x16xf32>,
        %get3A_271 = vector.shape_cast %get3A_270 : vector<1x16xf32> to vector<16xf32>
        %add3A_272 = arith.addf %scan3A_257, %get3A_271 : vector<16xf32>
        %get3A_273 = arith.index_cast %scan3A_255 : i32 to index
        %get3A_274 = arith.constant 32 : index
        %get3A_275 = tpu.vector_load %arg6[%get3A_273, %get3A_274] {strides = array<i32>} : memref<200x128xf32, #tpu.memory_space<vmem>>, vector<1x16xf32>,
        %get3A_276 = vector.shape_cast %get3A_275 : vector<1x16xf32> to vector<16xf32>
        %add3A_277 = arith.addf %scan3A_258, %get3A_276 : vector<16xf32>
        %get3A_278 = arith.index_cast %scan3A_255 : i32 to index
        %get3A_279 = arith.constant 48 : index
        %get3A_280 = tpu.vector_load %arg6[%get3A_278, %get3A_279] {strides = array<i32>} : memref<200x128xf32, #tpu.memory_space<vmem>>, vector<1x16xf32>,
        %get3A_281 = vector.shape_cast %get3A_280 : vector<1x16xf32> to vector<16xf32>
        %add3A_282 = arith.addf %scan3A_259, %get3A_281 : vector<16xf32>
        %get3A_283 = arith.index_cast %scan3A_255 : i32 to index
        %get3A_284 = arith.constant 64 : index
        %get3A_285 = tpu.vector_load %arg6[%get3A_283, %get3A_284] {strides = array<i32>} : memref<200x128xf32, #tpu.memory_space<vmem>>, vector<1x16xf32>,
        %get3A_286 = vector.shape_cast %get3A_285 : vector<1x16xf32> to vector<16xf32>
        %add3A_287 = arith.addf %scan3A_260, %get3A_286 : vector<16xf32>
        %get3A_288 = arith.index_cast %scan3A_255 : i32 to index
        %get3A_289 = arith.constant 80 : index
        %get3A_290 = tpu.vector_load %arg6[%get3A_288, %get3A_289] {strides = array<i32>} : memref<200x128xf32, #tpu.memory_space<vmem>>, vector<1x16xf32>,
        %get3A_291 = vector.shape_cast %get3A_290 : vector<1x16xf32> to vector<16xf32>
        %add3A_292 = arith.addf %scan3A_261, %get3A_291 : vector<16xf32>
        %get3A_293 = arith.index_cast %scan3A_255 : i32 to index
        %get3A_294 = arith.constant 96 : index
        %get3A_295 = tpu.vector_load %arg6[%get3A_293, %get3A_294] {strides = array<i32>} : memref<200x128xf32, #tpu.memory_space<vmem>>, vector<1x16xf32>,
        %get3A_296 = vector.shape_cast %get3A_295 : vector<1x16xf32> to vector<16xf32>
        %add3A_297 = arith.addf %scan3A_262, %get3A_296 : vector<16xf32>
        %get3A_298 = arith.index_cast %scan3A_255 : i32 to index
        %get3A_299 = arith.constant 112 : index
        %get3A_300 = tpu.vector_load %arg6[%get3A_298, %get3A_299] {strides = array<i32>} : memref<200x128xf32, #tpu.memory_space<vmem>>, vector<1x16xf32>,
        %get3A_301 = vector.shape_cast %get3A_300 : vector<1x16xf32> to vector<16xf32>
        %add3A_302 = arith.addf %scan3A_263, %get3A_301 : vector<16xf32>
        scf.yield %add3A_267, %add3A_272, %add3A_277, %add3A_282, %add3A_287, %add3A_292, %add3A_297, %add3A_302 : vector<16xf32>, vector<16xf32>, vector<16xf32>, vector<16xf32>, vector<16xf32>, vector<16xf32>, vector<16xf32>, vector<16xf32>
      }
      %scan3A_90 = arith.constant 200 : i32
      %mul3A_91 = arith.constant 5.000000e-03 : f32
      %mul3A_92 = vector.broadcast %mul3A_91 : f32 to vector<16xf32>
      %mul3A_93 = arith.mulf %scan3A_89#0, %mul3A_92 : vector<16xf32>
      %neg3A = arith.constant 0.000000e+00 : f32
      %neg3A_94 = vector.broadcast %neg3A : f32 to vector<16xf32>
      %neg3A_95 = arith.subf %neg3A_94, %mul3A_93 : vector<16xf32>
      %exp3A = math.exp %neg3A_95 : vector<16xf32>
      %add3A_96 = arith.constant 1.000000e+00 : f32
      %add3A_97 = vector.broadcast %add3A_96 : f32 to vector<16xf32>
      %add3A_98 = arith.addf %add3A_97, %exp3A : vector<16xf32>
      %div3A = arith.constant 1.000000e+00 : f32
      %div3A_99 = vector.broadcast %div3A : f32 to vector<16xf32>
      %div3A_100 = arith.divf %div3A_99, %add3A_98 : vector<16xf32>
      %mul3A_101 = arith.constant 128 : i32
      %mul3A_102 = arith.muli %scan3A_54, %mul3A_101 : i32
      %add3A_103 = arith.constant 0 : i32
      %add3A_104 = arith.addi %mul3A_102, %add3A_103 : i32
      %swap3A = arith.index_cast %add3A_104 : i32 to index
      %swap3A_105 = tpu.vector_load %arg7[%swap3A] {strides = array<i32>} : memref<512xf32, #tpu.memory_space<vmem>>, vector<16xf32>,
      %swap3A_106 = vector.shape_cast %swap3A_105 : vector<16xf32> to vector<16xf32>
      %swap3A_107 = vector.shape_cast %div3A_100 : vector<16xf32> to vector<16xf32>
      tpu.vector_store %arg7[%swap3A], %swap3A_107 {strides = array<i32>} : memref<512xf32, #tpu.memory_space<vmem>>, vector<16xf32>,
      %mul3A_108 = arith.constant 5.000000e-03 : f32
      %mul3A_109 = vector.broadcast %mul3A_108 : f32 to vector<16xf32>
      %mul3A_110 = arith.mulf %scan3A_89#1, %mul3A_109 : vector<16xf32>
      %neg3A_111 = arith.constant 0.000000e+00 : f32
      %neg3A_112 = vector.broadcast %neg3A_111 : f32 to vector<16xf32>
      %neg3A_113 = arith.subf %neg3A_112, %mul3A_110 : vector<16xf32>
      %exp3A_114 = math.exp %neg3A_113 : vector<16xf32>
      %add3A_115 = arith.constant 1.000000e+00 : f32
      %add3A_116 = vector.broadcast %add3A_115 : f32 to vector<16xf32>
      %add3A_117 = arith.addf %add3A_116, %exp3A_114 : vector<16xf32>
      %div3A_118 = arith.constant 1.000000e+00 : f32
      %div3A_119 = vector.broadcast %div3A_118 : f32 to vector<16xf32>
      %div3A_120 = arith.divf %div3A_119, %add3A_117 : vector<16xf32>
      %mul3A_121 = arith.constant 128 : i32
      %mul3A_122 = arith.muli %scan3A_54, %mul3A_121 : i32
      %add3A_123 = arith.constant 16 : i32
      %add3A_124 = arith.addi %mul3A_122, %add3A_123 : i32
      %swap3A_125 = arith.index_cast %add3A_124 : i32 to index
      %swap3A_126 = tpu.vector_load %arg7[%swap3A_125] {strides = array<i32>} : memref<512xf32, #tpu.memory_space<vmem>>, vector<16xf32>,
      %swap3A_127 = vector.shape_cast %swap3A_126 : vector<16xf32> to vector<16xf32>
      %swap3A_128 = vector.shape_cast %div3A_120 : vector<16xf32> to vector<16xf32>
      tpu.vector_store %arg7[%swap3A_125], %swap3A_128 {strides = array<i32>} : memref<512xf32, #tpu.memory_space<vmem>>, vector<16xf32>,
      %mul3A_129 = arith.constant 5.000000e-03 : f32
      %mul3A_130 = vector.broadcast %mul3A_129 : f32 to vector<16xf32>
      %mul3A_131 = arith.mulf %scan3A_89#2, %mul3A_130 : vector<16xf32>
      %neg3A_132 = arith.constant 0.000000e+00 : f32
      %neg3A_133 = vector.broadcast %neg3A_132 : f32 to vector<16xf32>
      %neg3A_134 = arith.subf %neg3A_133, %mul3A_131 : vector<16xf32>
      %exp3A_135 = math.exp %neg3A_134 : vector<16xf32>
      %add3A_136 = arith.constant 1.000000e+00 : f32
      %add3A_137 = vector.broadcast %add3A_136 : f32 to vector<16xf32>
      %add3A_138 = arith.addf %add3A_137, %exp3A_135 : vector<16xf32>
      %div3A_139 = arith.constant 1.000000e+00 : f32
      %div3A_140 = vector.broadcast %div3A_139 : f32 to vector<16xf32>
      %div3A_141 = arith.divf %div3A_140, %add3A_138 : vector<16xf32>
      %mul3A_142 = arith.constant 128 : i32
      %mul3A_143 = arith.muli %scan3A_54, %mul3A_142 : i32
      %add3A_144 = arith.constant 32 : i32
      %add3A_145 = arith.addi %mul3A_143, %add3A_144 : i32
      %swap3A_146 = arith.index_cast %add3A_145 : i32 to index
      %swap3A_147 = tpu.vector_load %arg7[%swap3A_146] {strides = array<i32>} : memref<512xf32, #tpu.memory_space<vmem>>, vector<16xf32>,
      %swap3A_148 = vector.shape_cast %swap3A_147 : vector<16xf32> to vector<16xf32>
      %swap3A_149 = vector.shape_cast %div3A_141 : vector<16xf32> to vector<16xf32>
      tpu.vector_store %arg7[%swap3A_146], %swap3A_149 {strides = array<i32>} : memref<512xf32, #tpu.memory_space<vmem>>, vector<16xf32>,
      %mul3A_150 = arith.constant 5.000000e-03 : f32
      %mul3A_151 = vector.broadcast %mul3A_150 : f32 to vector<16xf32>
      %mul3A_152 = arith.mulf %scan3A_89#3, %mul3A_151 : vector<16xf32>
      %neg3A_153 = arith.constant 0.000000e+00 : f32
      %neg3A_154 = vector.broadcast %neg3A_153 : f32 to vector<16xf32>
      %neg3A_155 = arith.subf %neg3A_154, %mul3A_152 : vector<16xf32>
      %exp3A_156 = math.exp %neg3A_155 : vector<16xf32>
      %add3A_157 = arith.constant 1.000000e+00 : f32
      %add3A_158 = vector.broadcast %add3A_157 : f32 to vector<16xf32>
      %add3A_159 = arith.addf %add3A_158, %exp3A_156 : vector<16xf32>
      %div3A_160 = arith.constant 1.000000e+00 : f32
      %div3A_161 = vector.broadcast %div3A_160 : f32 to vector<16xf32>
      %div3A_162 = arith.divf %div3A_161, %add3A_159 : vector<16xf32>
      %mul3A_163 = arith.constant 128 : i32
      %mul3A_164 = arith.muli %scan3A_54, %mul3A_163 : i32
      %add3A_165 = arith.constant 48 : i32
      %add3A_166 = arith.addi %mul3A_164, %add3A_165 : i32
      %swap3A_167 = arith.index_cast %add3A_166 : i32 to index
      %swap3A_168 = tpu.vector_load %arg7[%swap3A_167] {strides = array<i32>} : memref<512xf32, #tpu.memory_space<vmem>>, vector<16xf32>,
      %swap3A_169 = vector.shape_cast %swap3A_168 : vector<16xf32> to vector<16xf32>
      %swap3A_170 = vector.shape_cast %div3A_162 : vector<16xf32> to vector<16xf32>
      tpu.vector_store %arg7[%swap3A_167], %swap3A_170 {strides = array<i32>} : memref<512xf32, #tpu.memory_space<vmem>>, vector<16xf32>,
      %mul3A_171 = arith.constant 5.000000e-03 : f32
      %mul3A_172 = vector.broadcast %mul3A_171 : f32 to vector<16xf32>
      %mul3A_173 = arith.mulf %scan3A_89#4, %mul3A_172 : vector<16xf32>
      %neg3A_174 = arith.constant 0.000000e+00 : f32
      %neg3A_175 = vector.broadcast %neg3A_174 : f32 to vector<16xf32>
      %neg3A_176 = arith.subf %neg3A_175, %mul3A_173 : vector<16xf32>
      %exp3A_177 = math.exp %neg3A_176 : vector<16xf32>
      %add3A_178 = arith.constant 1.000000e+00 : f32
      %add3A_179 = vector.broadcast %add3A_178 : f32 to vector<16xf32>
      %add3A_180 = arith.addf %add3A_179, %exp3A_177 : vector<16xf32>
      %div3A_181 = arith.constant 1.000000e+00 : f32
      %div3A_182 = vector.broadcast %div3A_181 : f32 to vector<16xf32>
      %div3A_183 = arith.divf %div3A_182, %add3A_180 : vector<16xf32>
      %mul3A_184 = arith.constant 128 : i32
      %mul3A_185 = arith.muli %scan3A_54, %mul3A_184 : i32
      %add3A_186 = arith.constant 64 : i32
      %add3A_187 = arith.addi %mul3A_185, %add3A_186 : i32
      %swap3A_188 = arith.index_cast %add3A_187 : i32 to index
      %swap3A_189 = tpu.vector_load %arg7[%swap3A_188] {strides = array<i32>} : memref<512xf32, #tpu.memory_space<vmem>>, vector<16xf32>,
      %swap3A_190 = vector.shape_cast %swap3A_189 : vector<16xf32> to vector<16xf32>
      %swap3A_191 = vector.shape_cast %div3A_183 : vector<16xf32> to vector<16xf32>
      tpu.vector_store %arg7[%swap3A_188], %swap3A_191 {strides = array<i32>} : memref<512xf32, #tpu.memory_space<vmem>>, vector<16xf32>,
      %mul3A_192 = arith.constant 5.000000e-03 : f32
      %mul3A_193 = vector.broadcast %mul3A_192 : f32 to vector<16xf32>
      %mul3A_194 = arith.mulf %scan3A_89#5, %mul3A_193 : vector<16xf32>
      %neg3A_195 = arith.constant 0.000000e+00 : f32
      %neg3A_196 = vector.broadcast %neg3A_195 : f32 to vector<16xf32>
      %neg3A_197 = arith.subf %neg3A_196, %mul3A_194 : vector<16xf32>
      %exp3A_198 = math.exp %neg3A_197 : vector<16xf32>
      %add3A_199 = arith.constant 1.000000e+00 : f32
      %add3A_200 = vector.broadcast %add3A_199 : f32 to vector<16xf32>
      %add3A_201 = arith.addf %add3A_200, %exp3A_198 : vector<16xf32>
      %div3A_202 = arith.constant 1.000000e+00 : f32
      %div3A_203 = vector.broadcast %div3A_202 : f32 to vector<16xf32>
      %div3A_204 = arith.divf %div3A_203, %add3A_201 : vector<16xf32>
      %mul3A_205 = arith.constant 128 : i32
      %mul3A_206 = arith.muli %scan3A_54, %mul3A_205 : i32
      %add3A_207 = arith.constant 80 : i32
      %add3A_208 = arith.addi %mul3A_206, %add3A_207 : i32
      %swap3A_209 = arith.index_cast %add3A_208 : i32 to index
      %swap3A_210 = tpu.vector_load %arg7[%swap3A_209] {strides = array<i32>} : memref<512xf32, #tpu.memory_space<vmem>>, vector<16xf32>,
      %swap3A_211 = vector.shape_cast %swap3A_210 : vector<16xf32> to vector<16xf32>
      %swap3A_212 = vector.shape_cast %div3A_204 : vector<16xf32> to vector<16xf32>
      tpu.vector_store %arg7[%swap3A_209], %swap3A_212 {strides = array<i32>} : memref<512xf32, #tpu.memory_space<vmem>>, vector<16xf32>,
      %mul3A_213 = arith.constant 5.000000e-03 : f32
      %mul3A_214 = vector.broadcast %mul3A_213 : f32 to vector<16xf32>
      %mul3A_215 = arith.mulf %scan3A_89#6, %mul3A_214 : vector<16xf32>
      %neg3A_216 = arith.constant 0.000000e+00 : f32
      %neg3A_217 = vector.broadcast %neg3A_216 : f32 to vector<16xf32>
      %neg3A_218 = arith.subf %neg3A_217, %mul3A_215 : vector<16xf32>
      %exp3A_219 = math.exp %neg3A_218 : vector<16xf32>
      %add3A_220 = arith.constant 1.000000e+00 : f32
      %add3A_221 = vector.broadcast %add3A_220 : f32 to vector<16xf32>
      %add3A_222 = arith.addf %add3A_221, %exp3A_219 : vector<16xf32>
      %div3A_223 = arith.constant 1.000000e+00 : f32
      %div3A_224 = vector.broadcast %div3A_223 : f32 to vector<16xf32>
      %div3A_225 = arith.divf %div3A_224, %add3A_222 : vector<16xf32>
      %mul3A_226 = arith.constant 128 : i32
      %mul3A_227 = arith.muli %scan3A_54, %mul3A_226 : i32
      %add3A_228 = arith.constant 96 : i32
      %add3A_229 = arith.addi %mul3A_227, %add3A_228 : i32
      %swap3A_230 = arith.index_cast %add3A_229 : i32 to index
      %swap3A_231 = tpu.vector_load %arg7[%swap3A_230] {strides = array<i32>} : memref<512xf32, #tpu.memory_space<vmem>>, vector<16xf32>,
      %swap3A_232 = vector.shape_cast %swap3A_231 : vector<16xf32> to vector<16xf32>
      %swap3A_233 = vector.shape_cast %div3A_225 : vector<16xf32> to vector<16xf32>
      tpu.vector_store %arg7[%swap3A_230], %swap3A_233 {strides = array<i32>} : memref<512xf32, #tpu.memory_space<vmem>>, vector<16xf32>,
      %mul3A_234 = arith.constant 5.000000e-03 : f32
      %mul3A_235 = vector.broadcast %mul3A_234 : f32 to vector<16xf32>
      %mul3A_236 = arith.mulf %scan3A_89#7, %mul3A_235 : vector<16xf32>
      %neg3A_237 = arith.constant 0.000000e+00 : f32
      %neg3A_238 = vector.broadcast %neg3A_237 : f32 to vector<16xf32>
      %neg3A_239 = arith.subf %neg3A_238, %mul3A_236 : vector<16xf32>
      %exp3A_240 = math.exp %neg3A_239 : vector<16xf32>
      %add3A_241 = arith.constant 1.000000e+00 : f32
      %add3A_242 = vector.broadcast %add3A_241 : f32 to vector<16xf32>
      %add3A_243 = arith.addf %add3A_242, %exp3A_240 : vector<16xf32>
      %div3A_244 = arith.constant 1.000000e+00 : f32
      %div3A_245 = vector.broadcast %div3A_244 : f32 to vector<16xf32>
      %div3A_246 = arith.divf %div3A_245, %add3A_243 : vector<16xf32>
      %mul3A_247 = arith.constant 128 : i32
      %mul3A_248 = arith.muli %scan3A_54, %mul3A_247 : i32
      %add3A_249 = arith.constant 112 : i32
      %add3A_250 = arith.addi %mul3A_248, %add3A_249 : i32
      %swap3A_251 = arith.index_cast %add3A_250 : i32 to index
      %swap3A_252 = tpu.vector_load %arg7[%swap3A_251] {strides = array<i32>} : memref<512xf32, #tpu.memory_space<vmem>>, vector<16xf32>,
      %swap3A_253 = vector.shape_cast %swap3A_252 : vector<16xf32> to vector<16xf32>
      %swap3A_254 = vector.shape_cast %div3A_246 : vector<16xf32> to vector<16xf32>
      tpu.vector_store %arg7[%swap3A_251], %swap3A_254 {strides = array<i32>} : memref<512xf32, #tpu.memory_space<vmem>>, vector<16xf32>,
    }
    %scan3A_53 = arith.constant 4 : i32
    "tpu.region"() ({
      %run_scoped3A = tpu.sem_alloc : memref<!tpu.dma_semaphore, #tpu.memory_space<semaphore_mem>>
      %dma_start3A = tpu.memref_slice %arg4[%mul3A_2] : memref<16384xf32, #tpu.memory_space<hbm>> -> memref<512xf32, #tpu.memory_space<hbm>>
      %dma_start3A_54 = tpu.memref_slice %arg4[%mul3A_2] : memref<16384xf32, #tpu.memory_space<hbm>> -> memref<512xf32, #tpu.memory_space<hbm>>
      tpu.enqueue_dma source(%arg7 : memref<512xf32, #tpu.memory_space<vmem>>) target(%dma_start3A_54 : memref<512xf32, #tpu.memory_space<hbm>>) target_semaphore(%run_scoped3A : memref<!tpu.dma_semaphore, #tpu.memory_space<semaphore_mem>>)
      %dma_wait3A = tpu.memref_slice %arg4[%mul3A_2] : memref<16384xf32, #tpu.memory_space<hbm>> -> memref<512xf32, #tpu.memory_space<hbm>>
      %dma_wait3A_55 = tpu.memref_slice %arg4[%mul3A_2] : memref<16384xf32, #tpu.memory_space<hbm>> -> memref<512xf32, #tpu.memory_space<hbm>>
      tpu.wait_dma2 semaphore(%run_scoped3A : memref<!tpu.dma_semaphore, #tpu.memory_space<semaphore_mem>>) src(%arg7 : memref<512xf32, #tpu.memory_space<vmem>>) dst(%dma_wait3A_55 : memref<512xf32, #tpu.memory_space<hbm>>)
      tpu.yield
    }) : () -> ()
    return
  }
}

module attributes {stable_mosaic.version = 14 : i64} {
  func.func @_matvec_body(%arg0: i32, %arg1: memref<64x16384xf32, #tpu.memory_space<vmem>>, %arg2: memref<1x64xf32, #tpu.memory_space<vmem>>, %arg3: memref<1xf32, #tpu.memory_space<smem>>, %arg4: memref<16384xf32, #tpu.memory_space<vmem>>) attributes {dimension_semantics = [#tpu.dimension_semantics<arbitrary>], iteration_bounds = array<i64: 62>, scalar_prefetch = 0 : i64, scratch_operands = 0 : i64, tpu.core_type = #tpu.core_type<tc>, window_params = [{transform_indices = @transform_0, window_bounds = array<i64: 64, 16384>}, {pipeline_mode = #tpu.pipeline_mode<synchronous>, transform_indices = @transform_1, window_bounds = array<i64: 1, 64>}, {transform_indices = @transform_2, window_bounds = array<i64: 1>}, {transform_indices = @transform_3, window_bounds = array<i64: 16384>}]} {
    %get3A = arith.constant 0 : index
    %get3A_0 = arith.constant 0 : index
    %get3A_1 = vector.load %arg1[%get3A, %get3A_0] : memref<64x16384xf32, #tpu.memory_space<vmem>>, vector<64x16384xf32>
    %get3A_2 = arith.constant 0 : index
    %get3A_3 = arith.constant 0 : index
    %get3A_4 = vector.load %arg2[%get3A_2, %get3A_3] : memref<1x64xf32, #tpu.memory_space<vmem>>, vector<1x64xf32>
    %dot_general3A = arith.constant dense<0.000000e+00> : vector<1x16384xf32>
    %dot_general3A_5 = tpu.matmul %get3A_4, %get3A_1, %dot_general3A {dimension_numbers = #tpu.dot_dimension_numbers<[1], [0], [0], [1], [0, 0, 1, 1], [], []>, transpose_lhs_hint = false} : vector<1x64xf32>, vector<64x16384xf32>, vector<1x16384xf32> -> vector<1x16384xf32>
    %squeeze3A = vector.shape_cast %dot_general3A_5 : vector<1x16384xf32> to vector<16384xf32>
    %get3A_6 = arith.constant 0 : index
    %get3A_7 = memref.load %arg3[%get3A_6] : memref<1xf32, #tpu.memory_space<smem>>
    %add3A = vector.broadcast %get3A_7 : f32 to vector<16384xf32>
    %add3A_8 = arith.addf %squeeze3A, %add3A : vector<16384xf32>
    %swap3A = arith.constant 0 : index
    %swap3A_9 = vector.load %arg4[%swap3A] : memref<16384xf32, #tpu.memory_space<vmem>>, vector<16384xf32>
    tpu.vector_store %arg4[%swap3A], %add3A_8 {strides = array<i32>} : memref<16384xf32, #tpu.memory_space<vmem>>, vector<16384xf32>,
    return
  }
  func.func @transform_0(%arg0: i32) -> (i32, i32) {
    %c0_i32 = arith.constant 0 : i32
    %c0_i32_0 = arith.constant 0 : i32
    return %c0_i32, %arg0 : i32, i32
  }
  func.func @transform_1(%arg0: i32) -> (i32, i32) {
    %c0_i32 = arith.constant 0 : i32
    %c0_i32_0 = arith.constant 0 : i32
    %c0_i32_1 = arith.constant 0 : i32
    return %c0_i32, %c0_i32_0 : i32, i32
  }
  func.func @transform_2(%arg0: i32) -> i32 {
    %c0_i32 = arith.constant 0 : i32
    %c0_i32_0 = arith.constant 0 : i32
    return %c0_i32 : i32
  }
  func.func @transform_3(%arg0: i32) -> i32 {
    %c0_i32 = arith.constant 0 : i32
    return %arg0 : i32
  }
}

</mosaic_0001>

<sc_bundles>
// kernel: kernel.4.cloned.1.call-start
scs
__scs_entry_jumppad:
0x0: {  	(pc) =	sbr.rel $0x88, $3  }
0x1: {  	(tag) =	ssettag $0x0;
	lr =	simm.s32 $0x1  }
0x2: {  	[smem:$0x3F9D] =	sst lr;
	_ =	strace $0xD0000000  }
0x3: {  	_ = 	snop  }
0x4: {  	_ = 	snop  }
0x5: {  	_ = 	snop  }
0x6: {  	_ = 	snop  }
0x7: {  	_ = 	snop  }
__scs_overlays_trampoline_lowered:
0x8: {  	[smem:$0x3FAC] =	sst s0  }
0x9: {  	[smem:$0x3FAD] =	sst s1  }
0xa: {  	[smem:$0x3FAE] =	sst s2  }
0xb: {  	[smem:$0x3FAF] =	sst s3  }
0xc: {  	[smem:$0x3FB0] =	sst s4  }
0xd: {  	[smem:$0x3FB1] =	sst s5  }
0xe: {  	[smem:$0x3FB2] =	sst s6  }
0xf: {  	[smem:$0x3FB3] =	sst s7  }
0x10: {  	[smem:$0x3FB4] =	sst s8  }
0x11: {  	[smem:$0x3FB5] =	sst s9;
	s0 =	simm.s32 @!p0 $0x0  }
0x12: {  	s1 =	sld [smem:$0x3F9B];
	s0 =	simm.s32 @p0 $0x1  }
0x13: {  	[smem:$0x3FB6] =	sst s0;
	s0 =	simm.s32 @!p1 $0x0  }
0x14: {  	s2 =	sld [smem:$0x3F9A];
	s0 =	simm.s32 @p1 $0x1  }
0x15: {  	[smem:$0x3FB7] =	sst s0;
	s0 =	simm.s32 @!p2 $0x0  }
0x16: {  	s3 =	sld [smem:$0x3FDB];
	s0 =	simm.s32 @p2 $0x1  }
0x17: {  	s4 =	simm.s32 $0x1BF5;
	[smem:$0x3FB9] =	sst s0  }
0x18: {  	s0 =	sld [smem:$0x3F9C];
	_ =	swait.ge [sflag:s4], $0x0  }
0x19: {  	s7 =	sld [smem:$0x3F9D]  }
0x1a: {  	s8 =	sadd.s32 $0xFFFFE003, lr  }
0x1b: {  	s9 =	sadd.s32 $0xFFFFFEF7, lr;
	s5 =	simm.s32 $0xFFFFFFFF;
	p2 =	slt.u32 s8, $0xFFFFF086  }
0x1c: {  	p1 =	slt.u32 s9, $0xF7A;
	s5 =	simm.s32 @!p2 $0x0  }
0x1d: {  	s5 =	simm.s32 @p1 $0x1;
	p0 =	seq.s32 s7, s2  }
0x1e: {  	s7 =	smul.u32 @!p0 $0xF7A, s2;
	p2 =	seq.s32 @!p0 s5, $0x0  }
0x1f: {  	s9 =	smul.u32 $0xF7A, s1;
	s8 =	simm.s32 @!p0 $0x1BF5;
	p2 =	por !p2, p0  }
0x20: {  	[sflag:s8] =	ssyncset.s32 @!p0 $0xFFFFF086;
	s6 =	sadd.s32 @!p0 s3, s7;
	s7 =	simm.s32 @!p0 $0x108  }
0x21: {  	s3 =	sadd.s32 s3, s9;
	s6 =	sadd.s32 @!p0 $0x88, s6;
	s7 =	simm.s32 @p2 $0x1082  }
0x22: {  	[simem:s7], [sflag:s8] =	dma.local @!p0 [hbm:s6], $0xF7A  }
0x23: {  	s9 =	sor.u32 $0xD0000000, s2;
	s6 =	simm.s32 $0x108;
	_ =	swait.ge @!p0 [sflag:s8], $0x0  }
0x24: {  	s3 =	sadd.s32 $0x88, s3;
	s6 =	simm.s32 @!p1 $0x1082;
	[sflag:s4] =	ssyncset.s32 $0xFFFFF086  }
0x25: {  	[simem:s6], [sflag:s4] =	dma.local [hbm:s3], $0xF7A  }
0x26: {  	[smem:$0x3F9D] =	sst s1;
	(tag) =	ssettag s2;
	_ =	strace s9  }
0x27: {  	s1 =	sld [smem:$0x3FAD]  }
0x28: {  	s2 =	sld [smem:$0x3FAE]  }
0x29: {  	s4 =	sld [smem:$0x3FB0]  }
0x2a: {  	p0 =	seq.s32 s5, $0x0;
	s5 =	sld [smem:$0x3FB1]  }
0x2b: {  	s6 =	sld [smem:$0x3FB2]  }
0x2c: {  	s7 =	sld [smem:$0x3FB3]  }
0x2d: {  	s3 =	simm.s32 $0x108;
	s8 =	sld [smem:$0x3FB4]  }
0x2e: {  	s3 =	simm.s32 @!p0 $0x1082;
	s9 =	sld [smem:$0x3FB5]  }
0x2f: {  	lr =	sadd.s32 s0, s3;
	s0 =	sld [smem:$0x3FAC]  }
0x30: {  	s3 =	sld [smem:$0x3FAF]  }
0x31: {  	[smem:$0x3FB8] =	sst s10  }
0x32: {  	s10 =	sld [smem:$0x3FB6];
	_ =	sdelay $0x3  }
0x33: {  	p0 =	seq.s32 s10, $0x1;
	s10 =	sld [smem:$0x3FB8];
	_ =	sdelay $0x3  }
0x34: {  	[smem:$0x3FB8] =	sst s10  }
0x35: {  	s10 =	sld [smem:$0x3FB7];
	_ =	sdelay $0x3  }
0x36: {  	p1 =	seq.s32 s10, $0x1;
	s10 =	sld [smem:$0x3FB8];
	_ =	sdelay $0x3  }
0x37: {  	[smem:$0x3FB8] =	sst s10  }
0x38: {  	s10 =	sld [smem:$0x3FB9]  }
0x39: {  	_ = 	snop;
	(pc) =	sbr.ind lr, $3  }
0x3a: {  	_ = 	snop  }
0x3b: {  	_ = 	snop  }
0x3c: {  	p2 =	seq.s32 s10, $0x1;
	s10 =	sld [smem:$0x3FB8]  }
0x3d: {  	_ =	shalt  }
0x3e: {  	_ =	shalt  }
0x3f: {  	_ =	shalt  }
0x40: {  	_ =	shalt  }
0x41: {  	_ =	shalt  }
0x42: {  	_ =	shalt  }
0x43: {  	_ =	shalt  }
0x44: {  	_ =	shalt  }
0x45: {  	_ =	shalt  }
0x46: {  	_ =	shalt  }
0x47: {  	_ =	shalt  }
0x48: {  	_ =	shalt  }
0x49: {  	_ =	shalt  }
0x4a: {  	_ =	shalt  }
0x4b: {  	_ =	shalt  }
0x4c: {  	_ =	shalt  }
0x4d: {  	_ =	shalt  }
0x4e: {  	_ =	shalt  }
0x4f: {  	_ =	shalt  }
0x50: {  	_ =	shalt  }
0x51: {  	_ =	shalt  }
0x52: {  	_ =	shalt  }
0x53: {  	_ =	shalt  }
0x54: {  	_ =	shalt  }
0x55: {  	_ =	shalt  }
0x56: {  	_ =	shalt  }
0x57: {  	_ =	shalt  }
0x58: {  	_ =	shalt  }
0x59: {  	_ =	shalt  }
0x5a: {  	_ =	shalt  }
0x5b: {  	_ =	shalt  }
0x5c: {  	_ =	shalt  }
0x5d: {  	_ =	shalt  }
0x5e: {  	_ =	shalt  }
0x5f: {  	_ =	shalt  }
0x60: {  	_ =	shalt  }
0x61: {  	_ =	shalt  }
0x62: {  	_ =	shalt  }
0x63: {  	_ =	shalt  }
0x64: {  	_ =	shalt  }
0x65: {  	_ =	shalt  }
0x66: {  	_ =	shalt  }
0x67: {  	_ =	shalt  }
0x68: {  	_ =	shalt  }
0x69: {  	_ =	shalt  }
0x6a: {  	_ =	shalt  }
0x6b: {  	_ =	shalt  }
0x6c: {  	_ =	shalt  }
0x6d: {  	_ =	shalt  }
0x6e: {  	_ =	shalt  }
0x6f: {  	_ =	shalt  }
0x70: {  	_ =	shalt  }
0x71: {  	_ =	shalt  }
0x72: {  	_ =	shalt  }
0x73: {  	_ =	shalt  }
0x74: {  	_ =	shalt  }
0x75: {  	_ =	shalt  }
0x76: {  	_ =	shalt  }
0x77: {  	_ =	shalt  }
0x78: {  	_ =	shalt  }
0x79: {  	_ =	shalt  }
0x7a: {  	_ =	shalt  }
0x7b: {  	_ =	shalt  }
0x7c: {  	_ =	shalt  }
0x7d: {  	_ =	shalt  }
0x7e: {  	_ =	shalt  }
0x7f: {  	_ =	shalt  }
0x80: {  	_ =	shalt  }
0x81: {  	_ =	shalt  }
0x82: {  	_ =	shalt  }
0x83: {  	_ =	shalt  }
0x84: {  	_ =	shalt  }
0x85: {  	_ =	shalt  }
0x86: {  	_ =	shalt  }
0x87: {  	_ =	shalt  }
.Lfunc_end0:
.L_simem_size_0:
called_computation_lowered:
.L_overlay_start_0:
0x88: {  	s2 =	sld [smem:$0x3FD9]  }
0x89: {  	s3 =	sld [smem:$0x3FFE];
	_ =	sdelay $0x1  }
0x8a: {  	s1 =	srdreg.scid  }
0x8b: {  	s0 =	sand.u32 $0x1, s1  }
0x8c: {  	s17 =	sshll.u32 s0, $0xA;
	s2 =	sadd.s32 s3, s2  }
0x8d: {  	s2 =	sadd.s32 s2, s17  }
0x8e: {  	[smem:$0x3FC4] =	sst s2  }
0x8f: {  	_ = 	snop  }
0x90: {  	s2 =	sld [smem:$0x3FC9]  }
0x91: {  	s18 =	sld [smem:$0x3FD0];
	(tm) =	ssettm $0x1  }
0x92: {  	s4 =	sld [smem:$0x3FFB];
	_ =	sdelay $0x3  }
0x93: {  	_ =	strace s4  }
0x94: {  	s4 =	sld [smem:$0x3FFC];
	_ =	sdelay $0x3  }
0x95: {  	_ =	strace s4  }
0x96: {  	s4 =	sld [smem:$0x3FFD];
	_ =	sdelay $0x3  }
0x97: {  	_ =	strace s4  }
0x98: {  	_ =	strace $0x8FFFFFFF  }
0x99: {  	s19 =	sld [smem:$0x3FDB];
	_ =	sdelay $0x1  }
0x9a: {  	s5 =	simm.s32 $_scs_section_size  }
0x9b: {  	s6 =	simm.s32 $_size__tile_overlayer_lowered;
	s7 =	simm.s32 $_tile_overlayer_lowered  }
0x9c: {  	s22 =	simm.s32 $0x1BFF;
	s21 =	sshll.u32 s7, $0x1;
	s4 =	sadd.s32 s5, s19  }
0x9d: {  	s8 =	simm.s32 $0x0;
	s20 =	sshll.u32 s6, $0x1;
	s6 =	sadd.s32 s21, s4  }
0x9e: {  	[timem:s8], [sflag:s22] =	dma.local [hbm:s6], s20  }
0x9f: {  	_ =	swait.ge [sflag:s22], s20  }
0xa0: {  	s5 =	ssub.s32 $0x0, s20;
	[sflag:s22] =	ssyncset.done $0x0  }
0xa1: {  	[sflag:s22] =	ssyncadd.s32 s5;
	_ =	sdelay $0x1  }
0xa2: {  	s23 =	simm.s32 $0x1B8B  }
0xa3: {  	_ =	swait.ge [sflag:s23], $0x1  }
0xa4: {  	[sflag:s23] =	ssyncset.done $0x0  }
0xa5: {  	s25 =	simm.s32 $0x1B8E;
	s24 =	sld [smem:$0x3FFE];
	[sflag:s23] =	ssyncadd.s32 $0xFFFFFFFF  }
0xa6: {  	s26 =	simm.s32 $execute0_lowered;
	[smem:$0x3FD2] =	sst s25  }
0xa7: {  	s6 =	sshll.u32 s26, $0x1;
	_ =	strace $0x80000046;
	[dreg:$0x1] =	wrdreg $0xFFFFFFFF  }
0xa8: {  	s28 =	simm.s32 $_size_execute0_lowered;
	s4 =	sadd.s32 s4, s6;
	[dreg:$0x0] =	wrdreg $0x0  }
0xa9: {  	s6 =	sshll.u32 s28, $0x1;
	[dreg:$0x2] =	wrdreg s4  }
0xaa: {  	[dreg:$0x3] =	wrdreg s6  }
0xab: {  	[dreg:$0x4] =	wrdreg $0xC0  }
0xac: {  	_ =	task [dreg:s8], $0x5FFFF  }
0xad: {  	[dreg:$0x1] =	wrdreg $0xFFFFFFFF  }
0xae: {  	[dreg:$0x0] =	wrdreg $0x60  }
0xaf: {  	[dreg:$0x2] =	wrdreg s24  }
0xb0: {  	[dreg:$0x3] =	wrdreg s2  }
0xb1: {  	[dreg:$0x4] =	wrdreg s18  }
0xb2: {  	[dreg:$0x5] =	wrdreg $0xF1800  }
0xb3: {  	[dreg:$0x6] =	wrdreg $0x9  }
0xb4: {  	_ =	task.clear_ibuf [dreg:s8], $0x7FFFF;
	_ =	strace $0x90000046  }
0xb5: {  	s29 =	simm.s32 $0x9;
	_ =	strace $0x80000048  }
0xb6: {  	_ =	swait.ge [sflag:s29], $0x1  }
0xb7: {  	[sflag:s29] =	ssyncadd.s32 $0xFFFFFFFF  }
0xb8: {  	_ =	strace $0x90000048  }
0xb9: {  	_ =	sfence  }
0xba: {  	s30 =	sld [smem:$0x0];
	_ =	sdelay $0x2  }
0xbb: {  	s31 =	sshll.u32 s1, $0xD;
	s1 =	sshrl.u32 s1, $0x2  }
0xbc: {  	s3 =	sand.u32 $0x4000, s31;
	s1 =	sadd.s32 s1, s30  }
0xbd: {  	s0 =	sor.u32 s3, s0;
	s1 =	sshll.u32 s1, $0x11  }
0xbe: {  	s0 =	sor.u32 s1, s0  }
0xbf: {  	s0 =	sadd.s32 $0x8F2B, s0  }
0xc0: {  	[sflag:s0] =	ssyncadd.remote.s32 $0x1  }
0xc1: {  	_ =	sfence.sel $0xFFFF  }
0xc2: {  	[dreg:$0x0] =	wrdreg $0xFFFFFFFF;
	(pc) =	sbr.abs _section_cstart, $3  }
0xc3: {  	[dreg:$0x1] =	wrdreg $0xFFFFFFFF  }
0xc4: {  	_ =	task.clear_ibuf [dreg:s8], $0x2FFFF;
	_ =	strace $0x9FFFFFFF  }
0xc5: {  	(tm) =	ssettm $0x7FFFFFFF  }
tec
execute0_lowered:
.L_overlay_start_1:
0x0: {  	(tag) =	ssettag $0x1  }
0x1: {  	s0 =	rddreg [dreg:$0x0]  }
0x2: {  	s2 =	rddreg [dreg:$0x1]  }
0x3: {  	s19 =	rddreg [dreg:$0x2]  }
0x4: {  	s1 =	rddreg [dreg:$0x3];
	s4 =	srdreg.scid;
	s3 =	simm.s32 $0x0  }
0x5: {  	s21 =	stileid.u32;
	s22 =	simm.s32 $0x2;
	s23 =	simm.s32 $0x400  }
0x6: {  	s24 =	simm.s32 $0x20000;
	s29 =	simm.s32 $0x0;
	s4 =	sand.u32 $0x1, s4  }
0x7: {  	[smem:$0x7FF] =	sst s3;
	s14 =	smul.u32 $0x2710, s21;
	s0 =	sadd.s32 $0x800, s0  }
0x8: {  	s25 =	sshll.u32 s21, $0xA;
	p0 =	sgt.u32 s21, $0x3;
	s21 =	simm.s32 $0xCA00  }
0x9: {  	s5 =	ssub.s32 $0x2, s4;
	_ =	strace $0x80000047;
	s4 =	sshll.u32 s4, $0x9  }
0xa: {  	s6 =	sshrl.u32 s5, $0x1;
	s26 =	sshrl.u32 s14, $0x3;
	s7 =	sadd.s32 $0x27100, s14  }
0xb: {  	s18 =	sor.u32 s4, s25;
	s9 =	sadd.s32 $0x4E200, s14;
	s11 =	sadd.s32 $0x75300, s14  }
0xc: {  	s13 =	sadd.s32 $0x9C400, s14;
	s15 =	sadd.s32 $0xC3500, s14;
	s17 =	sadd.s32 $0xEA600, s14  }
0xd: {  	s25 =	simm.s32 $0x80;
	s20 =	ssub.s32 s5, s6;
	s4 =	sadd.s32 s0, s26  }
0xe: {  	s28 =	sshrl.u32 s7, $0x3;
	s5 =	sadd.s32 s14, s1;
	s7 =	sadd.s32 s7, s1  }
0xf: {  	s8 =	sshrl.u32 s9, $0x3;
	s10 =	sshrl.u32 s11, $0x3;
	s9 =	sadd.s32 s9, s1  }
0x10: {  	s12 =	sshrl.u32 s13, $0x3;
	s11 =	sadd.s32 s11, s1;
	s13 =	sadd.s32 s13, s1  }
0x11: {  	s16 =	sshrl.u32 s15, $0x3;
	s15 =	sadd.s32 s15, s1;
	s30 =	sshrl.u32 s17, $0x3  }
0x12: {  	s17 =	sadd.s32 s17, s1;
	s31 =	sshrl.u32 s18, $0x3;
	s18 =	sadd.s32 s2, s18  }
0x13: {  	s26 =	simm.s32 $0x1;
	s6 =	sadd.s32 s0, s28;
	s8 =	sadd.s32 s0, s8  }
0x14: {  	s10 =	sadd.s32 s0, s10;
	s12 =	sadd.s32 s0, s12;
	s14 =	sadd.s32 s0, s16  }
0x15: {  	s16 =	sadd.s32 s0, s30;
	s19 =	sadd.s32 s19, s31;
	s20 =	smax.u32 s20, $0x1  }
.LBB2_1:
0x16: {  	[tilespmem:s21], [sflag:$0x2] =	stream.linear.gather [hbm4b:s4+s3], $0x2710, $0x38;
	[tilespmem:$0x1E5A8] =	vst v63  }
0x17: {  	_ =	swait.ge [sflag:s22], $0x2710  }
0x18: {  	[sflag:s22] =	ssyncset.done $0x0  }
0x19: {  	[sflag:s22] =	ssyncadd.s32 $0xFFFFD8F0  }
0x1a: {  	[spmem:s5] =	stream.linear.scatter [tilespmem:s21], [sflag:$0x2], $0x2710, $0x38;
	[tilespmem:$0x1E5A8] =	vst v63  }
0x1b: {  	_ =	swait.ge [sflag:s22], $0x2710  }
0x1c: {  	[sflag:s22] =	ssyncset.done $0x0  }
0x1d: {  	[sflag:s22] =	ssyncadd.s32 $0xFFFFD8F0  }
0x1e: {  	[tilespmem:s21], [sflag:$0x2] =	stream.linear.gather [hbm4b:s6+s3], $0x2710, $0x38;
	[tilespmem:$0x1E5A8] =	vst v63  }
0x1f: {  	_ =	swait.ge [sflag:s22], $0x2710  }
0x20: {  	[sflag:s22] =	ssyncset.done $0x0  }
0x21: {  	[sflag:s22] =	ssyncadd.s32 $0xFFFFD8F0  }
0x22: {  	[spmem:s7] =	stream.linear.scatter [tilespmem:s21], [sflag:$0x2], $0x2710, $0x38;
	[tilespmem:$0x1E5A8] =	vst v63  }
0x23: {  	_ =	swait.ge [sflag:s22], $0x2710  }
0x24: {  	[sflag:s22] =	ssyncset.done $0x0  }
0x25: {  	[sflag:s22] =	ssyncadd.s32 $0xFFFFD8F0  }
0x26: {  	[tilespmem:s21], [sflag:$0x2] =	stream.linear.gather [hbm4b:s8+s3], $0x2710, $0x38;
	[tilespmem:$0x1E5A8] =	vst v63  }
0x27: {  	_ =	swait.ge [sflag:s22], $0x2710  }
0x28: {  	[sflag:s22] =	ssyncset.done $0x0  }
0x29: {  	[sflag:s22] =	ssyncadd.s32 $0xFFFFD8F0  }
0x2a: {  	[spmem:s9] =	stream.linear.scatter [tilespmem:s21], [sflag:$0x2], $0x2710, $0x38;
	[tilespmem:$0x1E5A8] =	vst v63  }
0x2b: {  	_ =	swait.ge [sflag:s22], $0x2710  }
0x2c: {  	[sflag:s22] =	ssyncset.done $0x0  }
0x2d: {  	[sflag:s22] =	ssyncadd.s32 $0xFFFFD8F0  }
0x2e: {  	[tilespmem:s21], [sflag:$0x2] =	stream.linear.gather [hbm4b:s10+s3], $0x2710, $0x38;
	[tilespmem:$0x1E5A8] =	vst v63  }
0x2f: {  	_ =	swait.ge [sflag:s22], $0x2710  }
0x30: {  	[sflag:s22] =	ssyncset.done $0x0  }
0x31: {  	[sflag:s22] =	ssyncadd.s32 $0xFFFFD8F0  }
0x32: {  	[spmem:s11] =	stream.linear.scatter [tilespmem:s21], [sflag:$0x2], $0x2710, $0x38;
	[tilespmem:$0x1E5A8] =	vst v63  }
0x33: {  	_ =	swait.ge [sflag:s22], $0x2710  }
0x34: {  	[sflag:s22] =	ssyncset.done $0x0  }
0x35: {  	[sflag:s22] =	ssyncadd.s32 $0xFFFFD8F0  }
0x36: {  	[tilespmem:s21], [sflag:$0x2] =	stream.linear.gather [hbm4b:s12+s3], $0x2710, $0x38;
	[tilespmem:$0x1E5A8] =	vst v63  }
0x37: {  	_ =	swait.ge [sflag:s22], $0x2710  }
0x38: {  	[sflag:s22] =	ssyncset.done $0x0  }
0x39: {  	[sflag:s22] =	ssyncadd.s32 $0xFFFFD8F0  }
0x3a: {  	[spmem:s13] =	stream.linear.scatter [tilespmem:s21], [sflag:$0x2], $0x2710, $0x38;
	[tilespmem:$0x1E5A8] =	vst v63  }
0x3b: {  	_ =	swait.ge [sflag:s22], $0x2710  }
0x3c: {  	[sflag:s22] =	ssyncset.done $0x0  }
0x3d: {  	[sflag:s22] =	ssyncadd.s32 $0xFFFFD8F0  }
0x3e: {  	[tilespmem:s21], [sflag:$0x2] =	stream.linear.gather [hbm4b:s14+s3], $0x2710, $0x38;
	[tilespmem:$0x1E5A8] =	vst v63  }
0x3f: {  	_ =	swait.ge [sflag:s22], $0x2710  }
0x40: {  	[sflag:s22] =	ssyncset.done $0x0  }
0x41: {  	[sflag:s22] =	ssyncadd.s32 $0xFFFFD8F0  }
0x42: {  	[spmem:s15] =	stream.linear.scatter [tilespmem:s21], [sflag:$0x2], $0x2710, $0x38;
	[tilespmem:$0x1E5A8] =	vst v63  }
0x43: {  	_ =	swait.ge [sflag:s22], $0x2710  }
0x44: {  	[sflag:s22] =	ssyncset.done $0x0  }
0x45: {  	s0 =	simm.s32 @!p0 $0x0;
	s2 =	simm.s32 @!p0 $0xCA00;
	[sflag:s22] =	ssyncadd.s32 $0xFFFFD8F0  }
0x46: {  	[tilespmem:s2], [sflag:$0x2] =	stream.linear.gather @!p0 [hbm4b:s16+s0], $0x2710, $0x38;
	[tilespmem:$0x1E5A8] =	vst v63  }
0x47: {  	s0 =	simm.s32 @!p0 $0x2  }
0x48: {  	_ =	swait.ge @!p0 [sflag:s0], $0x2710  }
0x49: {  	[sflag:s0] =	ssyncset.done @!p0 $0x0  }
0x4a: {  	[sflag:s0] =	ssyncadd.s32 @!p0 $0xFFFFD8F0  }
0x4b: {  	[spmem:s17] =	stream.linear.scatter @!p0 [tilespmem:s2], [sflag:$0x2], $0x2710, $0x38;
	[tilespmem:$0x1E5A8] =	vst v63  }
0x4c: {  	_ =	swait.ge @!p0 [sflag:s0], $0x2710  }
0x4d: {  	[sflag:s0] =	ssyncset.done @!p0 $0x0  }
0x4e: {  	[sflag:s0] =	ssyncadd.s32 @!p0 $0xFFFFD8F0  }
0x4f: {  	s30 =	simm.s32 $0x0;
	[bflag:$0x0] =	sbarrier.arrive $0xFFFF  }
.LBB2_2:
0x50: {  	s31 =	sshll.u32 s30, $0x7  }
0x51: {  	s0 =	simm.s32 $0x0;
	s2 =	sadd.s32 s31, s18  }
0x52: {  	[tilespmem:s0], [sflag:$0x2] =	stream.strided.gather [hbm4b:s2+s23], $0x6400, s24, s23, $0x38;
	[tilespmem:$0x1E5A8] =	vst v63  }
0x53: {  	_ =	swait.ge [sflag:s22], $0x6400  }
0x54: {  	[sflag:s22] =	ssyncset.done $0x0  }
0x55: {  	[sflag:s22] =	ssyncadd.s32 $0xFFFF9C00  }
.LBB2_3:
0x56: {  	p1 =	sne.s32 s0, $0x18E00  }
.Ltmp0:
0x57: {  	_ = 	snop;
	(pc) =	sbr.rel @p1 .LBB2_3-.Ltmp0, $4  }
0x58: {  	_ = 	snop  }
0x59: {  	s2 =	sshra.s32 s0, $0x2  }
0x5a: {  	s0 =	sadd.s32 $0x200, s0;
	s28 =	sadd.s32 $0x6400, s2  }
0x5b: {  	[tilespmem:s28], [sflag:$0x1] =	stream.indirect.gather [spmem:s1], $0x1, s2, s25, $0xb8;
	[tilespmem:$0x1E5A8] =	vst v63  }
0x5c: {  	s0 =	simm.s32 $0xC8  }
.LBB2_5:
0x5d: {  	p1 =	sne.s32 s0, $0x1  }
.Ltmp1:
0x5e: {  	_ = 	snop;
	(pc) =	sbr.rel @p1 .LBB2_5-.Ltmp1, $4  }
0x5f: {  	_ = 	snop  }
0x60: {  	_ =	swait.ge [sflag:s26], $0x80  }
0x61: {  	[sflag:s26] =	ssyncset.done $0x0  }
0x62: {  	s0 =	sadd.s32 $0xFFFFFFFF, s0;
	[sflag:s26] =	ssyncadd.s32 $0xFFFFFF80  }
0x63: {  	s28 =	simm.s32 $0x0  }
0x64: {  	v0 =	vld [tilespmem:s28+$0x6470]  }
0x65: {  	v1 =	vld [tilespmem:s28+$0x6400]  }
0x66: {  	v2 =	vld [tilespmem:s28+$0x6410]  }
0x67: {  	v10 =	vld [tilespmem:s28+$0x6420]  }
0x68: {  	v8 =	vld [tilespmem:s28+$0x6430]  }
0x69: {  	v9 =	vimm.f32 $0.0e+00;
	v7 =	vimm.f32 $0.0e+00;
	v5 =	vld [tilespmem:s28+$0x6440]  }
0x6a: {  	v6 =	vimm.f32 $0.0e+00;
	v3 =	vimm.f32 $0.0e+00;
	v4 =	vld [tilespmem:s28+$0x6450];
	v0 =	vadd.f32 v0, v9  }
0x6b: {  	s0 =	simm.s32 $0x80;
	s2 =	simm.s32 $0x400;
	v12 =	vadd.f32 v1, v9;
	v11 =	vadd.f32 v2, v9;
	v2 =	vld [tilespmem:s28+$0x6460];
	v1 =	vimm.f32 $0.0e+00  }
.LBB2_7:
0x6c: {  	p1 =	sne.s32 s2, $0x18E00;
	v13 =	vld [tilespmem:s0+$0x6470];
	v9 =	vadd.f32 v10, v9  }
0x6d: {  	v14 =	vld [tilespmem:s0+$0x6400];
	v7 =	vadd.f32 v8, v7  }
0x6e: {  	v15 =	vld [tilespmem:s0+$0x6410];
	v6 =	vadd.f32 v5, v6  }
.Ltmp2:
0x6f: {  	v10 =	vld [tilespmem:s0+$0x6420];
	v3 =	vadd.f32 v4, v3;
	(pc) =	sbr.rel @p1 .LBB2_7-.Ltmp2, $4  }
0x70: {  	v8 =	vld [tilespmem:s0+$0x6430];
	v1 =	vadd.f32 v2, v1  }
0x71: {  	v5 =	vld [tilespmem:s0+$0x6440];
	v0 =	vadd.f32 v13, v0  }
0x72: {  	v12 =	vadd.f32 v14, v12;
	v4 =	vld [tilespmem:s0+$0x6450]  }
0x73: {  	v11 =	vadd.f32 v15, v11;
	v2 =	vld [tilespmem:s0+$0x6460];
	s0 =	sshra.s32 s2, $0x2;
	s2 =	sadd.s32 $0x200, s2  }
0x74: {  	v13 =	vld [tilespmem:s0+$0x6400];
	_ =	sdelay $0x4  }
0x75: {  	v12 =	vadd.f32 v13, v12;
	_ =	sdelay $0x1  }
0x76: {  	v12 =	vmul.f32 $4.999999890e-03, v12;
	_ =	sdelay $0x1  }
0x77: {  	v12 =	vsub.f32 $0.0e+00, v12;
	_ =	sdelay $0x1  }
0x78: {  	v12 =	vmul.f32 $1.442695020e+00, v12;
	_ =	sdelay $0x1  }
0x79: {  	v47 =	vld [tilespmem:s0+$0x6410];
	(erf) = vpow2.f32 v12;
	_ =	sdelay $0x4  }
0x7a: {  	v11 =	vadd.f32 v47, v11;
	_ =	sdelay $0x1  }
0x7b: {  	v11 =	vmul.f32 $4.999999890e-03, v11;
	_ =	sdelay $0x1  }
0x7c: {  	v11 =	vsub.f32 $0.0e+00, v11;
	v12 =	vpop (erf)  }
0x7d: {  	v12 =	vadd.f32 $1.000000000e+00, v12  }
0x7e: {  	v11 =	vmul.f32 $1.442695020e+00, v11  }
0x7f: {  	(erf) = vrcp.f32 v12  }
0x80: {  	v48 =	vld [tilespmem:s0+$0x6420];
	(erf) = vpow2.f32 v11;
	_ =	sdelay $0x2  }
0x81: {  	v9 =	vadd.f32 v10, v9;
	_ =	sdelay $0x1  }
0x82: {  	v9 =	vadd.f32 v48, v9;
	_ =	sdelay $0x1  }
0x83: {  	v9 =	vmul.f32 $4.999999890e-03, v9  }
0x84: {  	v49 =	vpop (erf)  }
0x85: {  	v9 =	vsub.f32 $0.0e+00, v9;
	v11 =	vpop (erf)  }
0x86: {  	v11 =	vadd.f32 $1.000000000e+00, v11  }
0x87: {  	v9 =	vmul.f32 $1.442695020e+00, v9  }
0x88: {  	(erf) = vrcp.f32 v11  }
0x89: {  	v50 =	vld [tilespmem:s0+$0x6430];
	(erf) = vpow2.f32 v9;
	_ =	sdelay $0x2  }
0x8a: {  	v7 =	vadd.f32 v8, v7;
	_ =	sdelay $0x1  }
0x8b: {  	v7 =	vadd.f32 v50, v7;
	_ =	sdelay $0x1  }
0x8c: {  	v7 =	vmul.f32 $4.999999890e-03, v7  }
0x8d: {  	v51 =	vpop (erf)  }
0x8e: {  	v7 =	vsub.f32 $0.0e+00, v7;
	v9 =	vpop (erf)  }
0x8f: {  	v9 =	vadd.f32 $1.000000000e+00, v9  }
0x90: {  	v7 =	vmul.f32 $1.442695020e+00, v7  }
0x91: {  	(erf) = vrcp.f32 v9  }
0x92: {  	v52 =	vld [tilespmem:s0+$0x6440];
	(erf) = vpow2.f32 v7;
	_ =	sdelay $0x2  }
0x93: {  	v5 =	vadd.f32 v5, v6;
	_ =	sdelay $0x1  }
0x94: {  	v5 =	vadd.f32 v52, v5;
	_ =	sdelay $0x1  }
0x95: {  	v5 =	vmul.f32 $4.999999890e-03, v5  }
0x96: {  	v53 =	vpop (erf)  }
0x97: {  	v5 =	vsub.f32 $0.0e+00, v5;
	v7 =	vpop (erf)  }
0x98: {  	v7 =	vadd.f32 $1.000000000e+00, v7  }
0x99: {  	v5 =	vmul.f32 $1.442695020e+00, v5  }
0x9a: {  	(erf) = vrcp.f32 v7  }
0x9b: {  	v54 =	vld [tilespmem:s0+$0x6450];
	(erf) = vpow2.f32 v5;
	_ =	sdelay $0x2  }
0x9c: {  	v3 =	vadd.f32 v4, v3;
	_ =	sdelay $0x1  }
0x9d: {  	v3 =	vadd.f32 v54, v3;
	_ =	sdelay $0x1  }
0x9e: {  	v3 =	vmul.f32 $4.999999890e-03, v3  }
0x9f: {  	v55 =	vpop (erf)  }
0xa0: {  	v3 =	vsub.f32 $0.0e+00, v3;
	v5 =	vpop (erf)  }
0xa1: {  	v5 =	vadd.f32 $1.000000000e+00, v5  }
0xa2: {  	v3 =	vmul.f32 $1.442695020e+00, v3  }
0xa3: {  	(erf) = vrcp.f32 v5  }
0xa4: {  	v56 =	vld [tilespmem:s0+$0x6460];
	(erf) = vpow2.f32 v3;
	_ =	sdelay $0x2  }
0xa5: {  	v1 =	vadd.f32 v2, v1;
	_ =	sdelay $0x1  }
0xa6: {  	v1 =	vadd.f32 v56, v1;
	_ =	sdelay $0x1  }
0xa7: {  	v1 =	vmul.f32 $4.999999890e-03, v1  }
0xa8: {  	v57 =	vpop (erf)  }
0xa9: {  	v1 =	vsub.f32 $0.0e+00, v1;
	v3 =	vpop (erf)  }
0xaa: {  	v3 =	vadd.f32 $1.000000000e+00, v3  }
0xab: {  	v1 =	vmul.f32 $1.442695020e+00, v1  }
0xac: {  	(erf) = vrcp.f32 v3  }
0xad: {  	v58 =	vld [tilespmem:s0+$0x6470];
	(erf) = vpow2.f32 v1;
	_ =	sdelay $0x4  }
0xae: {  	v0 =	vadd.f32 v58, v0;
	_ =	sdelay $0x1  }
0xaf: {  	v0 =	vmul.f32 $4.999999890e-03, v0  }
0xb0: {  	v59 =	vpop (erf)  }
0xb1: {  	v0 =	vsub.f32 $0.0e+00, v0;
	v60 =	vpop (erf)  }
0xb2: {  	v3 =	vadd.f32 $1.000000000e+00, v60  }
0xb3: {  	v0 =	vmul.f32 $1.442695020e+00, v0  }
0xb4: {  	(erf) = vrcp.f32 v3  }
0xb5: {  	(erf) = vpow2.f32 v0;
	_ =	sdelay $0x7  }
0xb6: {  	v61 =	vpop (erf)  }
0xb7: {  	v62 =	vpop (erf)  }
0xb8: {  	v3 =	vadd.f32 $1.000000000e+00, v62;
	_ =	sdelay $0x1  }
0xb9: {  	(erf) = vrcp.f32 v3;
	_ =	sdelay $0x1  }
0xba: {  	s31 =	sand.u32 $0x3FFFFF80, s31  }
0xbb: {  	[tilespmem:s31+$0xC800] =	vst v49  }
0xbc: {  	s30 =	sadd.s32 $0x1, s30;
	[tilespmem:s31+$0xC810] =	vst v51  }
0xbd: {  	p1 =	sne.s32 s30, $0x4;
	[tilespmem:s31+$0xC820] =	vst v53  }
.Ltmp3:
0xbe: {  	[tilespmem:s31+$0xC830] =	vst v55;
	(pc) =	sbr.rel @p1 .LBB2_2-.Ltmp3, $4  }
0xbf: {  	[tilespmem:s31+$0xC840] =	vst v57  }
0xc0: {  	[tilespmem:s31+$0xC850] =	vst v59  }
0xc1: {  	[tilespmem:s31+$0xC860] =	vst v61;
	v63 =	vpop (erf)  }
0xc2: {  	[tilespmem:s31+$0xC870] =	vst v63  }
0xc3: {  	s29 =	sadd.s32 $0x1, s29  }
0xc4: {  	p1 =	sne.s32 s29, s20  }
.Ltmp4:
0xc5: {  	s0 =	simm.s32 $0xC800;
	(pc) =	sbr.rel @p1 .LBB2_1-.Ltmp4, $4  }
0xc6: {  	[hbm4b:s19+s3] =	stream.linear.scatter [tilespmem:s0], [sflag:$0x2], $0x200, $0x38;
	[tilespmem:$0x1E5A8] =	vst v63  }
0xc7: {  	_ =	swait.ge [sflag:s22], $0x200  }
0xc8: {  	[sflag:s22] =	ssyncset.done $0x0  }
0xc9: {  	[sflag:s22] =	ssyncadd.s32 $0xFFFFFE00  }
0xca: {  	_ =	sfence.sel $0x180000  }
0xcb: {  	[bflag:$0x0] =	sbarrier.arrive $0xFFFF  }
0xcc: {  	_ =	strace $0x90000047  }
0xcd: {  	s0 =	stileid.u32;
	[bflag:$0x2] =	sbarrier.arrive $0xFFFF  }
0xce: {  	p0 =	sne.s32 s0, $0x0;
	s0 =	rddreg [dreg:$0x4]  }
0xcf: {  	s0 =	sadd.s32 @!p0 $0x100000, s0  }
0xd0: {  	[sflag:s0] =	ssyncadd.tile.s32 @!p0 $0x1;
	_ =	shalt  }
.Lfunc_end2:
_tile_overlayer_lowered:
.L_overlay_start_2:
0xd1: {  	(tag) =	ssettag $0x2  }
0xd2: {  	s0 =	rddreg [dreg:$0x0];
	s2 =	stileid.u32  }
0xd3: {  	s1 =	rddreg [dreg:$0x1];
	p0 =	sne.s32 s2, $0x0  }
0xd4: {  	s3 =	rddreg [dreg:$0x2];
	[bflag:$0x3] =	sbarrier.arrive $0xFFFF;
	s2 =	simm.s32 @!p0 $0x1C02  }
0xd5: {  	[timem:s3], [sflag:s2] =	dma.local @!p0 [hbm:s0], s1  }
0xd6: {  	s0 =	simm.s32 @!p0 $0x2  }
0xd7: {  	_ =	swait.ge @!p0 [sflag:s0], s1  }
0xd8: {  	s1 =	ssub.s32 @!p0 $0x0, s1;
	[sflag:s0] =	ssyncset.done @!p0 $0x0  }
0xd9: {  	[sflag:s0] =	ssyncadd.s32 @!p0 s1  }
0xda: {  	[bflag:$0x3] =	sbarrier.arrive $0xFFFF  }
0xdb: {  	_ =	shalt  }

</sc_bundles>
